<compile_context>
chip_gen: v7x
topology: tpu7x:2x2x1
jax: 0.10.2.dev20260603
libtpu: 0.0.44.dev20260713+nightly
codegen_flags: <defaults>
</compile_context>

<pallas_src>
import jax
import jax.numpy as jnp
from jax import lax
from jax.experimental import pallas as pl
from jax.experimental.pallas import tpu as pltpu
from jax.experimental.pallas import tpu_sc as plsc

_NC = 2
_NS = 16
_NW = _NC * _NS

_DIM = 128
_TOTAL = 4096 * 50
_PER_W = _TOTAL // _NW
_CHUNK = 128
_NCHUNK = _PER_W // _CHUNK
_NBUF = 7
_NWIF = 3


def _embed_body(idx_hbm, table_hbm, out_hbm, idx_v, *scratch):
    rows = scratch[:_NBUF]
    gsems = scratch[_NBUF:2 * _NBUF]
    wsems = scratch[2 * _NBUF:3 * _NBUF]
    wid = lax.axis_index("s") * _NC + lax.axis_index("c")
    base = wid * _PER_W

    pltpu.sync_copy(idx_hbm.at[pl.ds(base, _PER_W)], idx_v)

    def fire_gather(k, b):
        pltpu.async_copy(table_hbm.at[idx_v.at[pl.ds(k * _CHUNK, _CHUNK)]],
                         rows[b], gsems[b])

    def drain_gather(b):
        pltpu.make_async_copy(table_hbm.at[pl.ds(0, _CHUNK)], rows[b],
                              gsems[b]).wait()

    def fire_write(k, b):
        pltpu.async_copy(
            rows[b], out_hbm.at[pl.ds(base + k * _CHUNK, _CHUNK)], wsems[b])

    def drain_write(k, b):
        pltpu.make_async_copy(
            rows[b], out_hbm.at[pl.ds(base + k * _CHUNK, _CHUNK)],
            wsems[b]).wait()

    def visit(j, b, b_free):
        if b_free is not None:
            drain_write(j - _NWIF, b_free)
            fire_gather(j - _NWIF + _NBUF, b_free)
        drain_gather(b)
        fire_write(j, b)

    for b in range(_NBUF):
        fire_gather(b, b)

    for j in range(_NWIF):
        visit(j, j % _NBUF, None)

    n_full = _NCHUNK - _NBUF
    n_groups = n_full // _NBUF
    if n_groups:
        @pl.loop(_NWIF, _NWIF + n_groups * _NBUF, step=_NBUF)
        def _(c):
            for u in range(_NBUF):
                visit(c + u, (_NWIF + u) % _NBUF, u % _NBUF)

    for j in range(_NWIF + n_groups * _NBUF, _NWIF + n_full):
        visit(j, j % _NBUF, (j - _NWIF) % _NBUF)

    for j in range(_NWIF + n_full, _NCHUNK):
        drain_write(j - _NWIF, (j - _NWIF) % _NBUF)
        visit(j, j % _NBUF, None)

    for k in range(_NCHUNK - _NWIF, _NCHUNK):
        drain_write(k, k % _NBUF)


@jax.jit
def _embed(idx, table):
    mesh = plsc.VectorSubcoreMesh(core_axis_name="c", subcore_axis_name="s")
    f = pl.kernel(
        _embed_body,
        out_type=jax.ShapeDtypeStruct((_TOTAL, _DIM), jnp.float32),
        mesh=mesh,
        compiler_params=pltpu.CompilerParams(use_tc_tiling_on_sc=False),
        scratch_types=(
            [pltpu.VMEM((_PER_W,), jnp.int32)]
            + [pltpu.VMEM((_CHUNK, _DIM), jnp.float32)] * _NBUF
            + [pltpu.SemaphoreType.DMA] * (2 * _NBUF)
        ),
    )
    return f(idx, table)


def kernel(index, table):
    b, l = index.shape
    idx = jnp.transpose(index.astype(jnp.int32)).reshape(_TOTAL)
    out = _embed(idx, table)
    return jnp.transpose(out.reshape(l, b, table.shape[1]), (1, 0, 2))

# --- scband reference (transcript-rebuilt; emitter-appended) ---
"""Pipeline reference for scband-embedding-46540265619710 (READ-ONLY COPY).

The authoritative reference and input builder live on the scoring server;
editing this copy changes nothing except your own understanding.
"""

import jax, jax.numpy as jnp
import numpy as np

VOCAB = 100000
DIM = 128
B = 4096
L = 50

def setup_inputs(seed: int = 0) -> dict:
    key = jax.random.key(seed)
    k1, k2 = jax.random.split(key)
    index = jax.random.randint(k1, (B, L), 0, VOCAB, dtype=jnp.int64 if jax.config.read('jax_enable_x64') else jnp.int32)
    table = jax.random.normal(k2, (VOCAB, DIM), dtype=jnp.float32)
    return {"index": index, "table": table}

def reference(index, table):
    # Embedding lookup: table[index]. Dropout is identity in eval mode.
    out = jnp.take(table, index, axis=0)
    return out

if __name__ == "__main__":
    import jax
    _d = setup_inputs()
    print(jax.jit(kernel)(*tuple(_d.values())))

</pallas_src>

<mosaic_0001>
#map = affine_map<(d0, d1) -> (0)>
#map1 = affine_map<(d0, d1) -> (0, 0)>
module attributes {stable_mosaic.version = 14 : i64} {
  func.func @_embed_body(%arg0: i32, %arg1: i32, %arg2: memref<204800xi32, #tpu.memory_space<hbm>>, %arg3: memref<100000x128xf32, #tpu.memory_space<hbm>>, %arg4: memref<204800x128xf32, #tpu.memory_space<hbm>>, %arg5: memref<6400xi32, #tpu.memory_space<vmem>>, %arg6: memref<128x128xf32, #tpu.memory_space<vmem>>, %arg7: memref<128x128xf32, #tpu.memory_space<vmem>>, %arg8: memref<128x128xf32, #tpu.memory_space<vmem>>, %arg9: memref<128x128xf32, #tpu.memory_space<vmem>>, %arg10: memref<128x128xf32, #tpu.memory_space<vmem>>, %arg11: memref<128x128xf32, #tpu.memory_space<vmem>>, %arg12: memref<128x128xf32, #tpu.memory_space<vmem>>, %arg13: memref<!tpu.dma_semaphore, #tpu.memory_space<semaphore_mem>>, %arg14: memref<!tpu.dma_semaphore, #tpu.memory_space<semaphore_mem>>, %arg15: memref<!tpu.dma_semaphore, #tpu.memory_space<semaphore_mem>>, %arg16: memref<!tpu.dma_semaphore, #tpu.memory_space<semaphore_mem>>, %arg17: memref<!tpu.dma_semaphore, #tpu.memory_space<semaphore_mem>>, %arg18: memref<!tpu.dma_semaphore, #tpu.memory_space<semaphore_mem>>, %arg19: memref<!tpu.dma_semaphore, #tpu.memory_space<semaphore_mem>>, %arg20: memref<!tpu.dma_semaphore, #tpu.memory_space<semaphore_mem>>, %arg21: memref<!tpu.dma_semaphore, #tpu.memory_space<semaphore_mem>>, %arg22: memref<!tpu.dma_semaphore, #tpu.memory_space<semaphore_mem>>, %arg23: memref<!tpu.dma_semaphore, #tpu.memory_space<semaphore_mem>>, %arg24: memref<!tpu.dma_semaphore, #tpu.memory_space<semaphore_mem>>, %arg25: memref<!tpu.dma_semaphore, #tpu.memory_space<semaphore_mem>>, %arg26: memref<!tpu.dma_semaphore, #tpu.memory_space<semaphore_mem>>) attributes {dimension_semantics = [#tpu.dimension_semantics<core_parallel>, #tpu.dimension_semantics<subcore_parallel>], iteration_bounds = array<i64: 2, 16>, scalar_prefetch = 0 : i64, scratch_operands = 22 : i64, tpu.core_type = #tpu.core_type<sc_vector_subcore>, window_params = [{transform_indices = #map}, {transform_indices = #map1}, {transform_indices = #map1}]} {
    %mul3A = arith.constant 2 : i32
    %mul3A_0 = arith.muli %arg1, %mul3A : i32
    %add3A = arith.addi %mul3A_0, %arg0 : i32
    %mul3A_1 = arith.constant 6400 : i32
    %mul3A_2 = arith.muli %add3A, %mul3A_1 : i32
    "tpu.region"() ({
      %run_scoped3A = tpu.sem_alloc : memref<!tpu.dma_semaphore, #tpu.memory_space<semaphore_mem>>
      %dma_start3A_189 = tpu.memref_slice %arg2[%mul3A_2] : memref<204800xi32, #tpu.memory_space<hbm>> -> memref<6400xi32, #tpu.memory_space<hbm>>
      %dma_start3A_190 = tpu.memref_slice %arg2[%mul3A_2] : memref<204800xi32, #tpu.memory_space<hbm>> -> memref<6400xi32, #tpu.memory_space<hbm>>
      tpu.enqueue_dma source(%dma_start3A_190 : memref<6400xi32, #tpu.memory_space<hbm>>) target(%arg5 : memref<6400xi32, #tpu.memory_space<vmem>>) target_semaphore(%run_scoped3A : memref<!tpu.dma_semaphore, #tpu.memory_space<semaphore_mem>>)
      %dma_wait3A_191 = tpu.memref_slice %arg2[%mul3A_2] : memref<204800xi32, #tpu.memory_space<hbm>> -> memref<6400xi32, #tpu.memory_space<hbm>>
      %dma_wait3A_192 = tpu.memref_slice %arg2[%mul3A_2] : memref<204800xi32, #tpu.memory_space<hbm>> -> memref<6400xi32, #tpu.memory_space<hbm>>
      tpu.wait_dma2 semaphore(%run_scoped3A : memref<!tpu.dma_semaphore, #tpu.memory_space<semaphore_mem>>) src(%dma_wait3A_192 : memref<6400xi32, #tpu.memory_space<hbm>>) dst(%arg5 : memref<6400xi32, #tpu.memory_space<vmem>>)
      tpu.yield
    }) : () -> ()
    %dma_start3A = arith.constant 0 : i32
    %dma_start3A_3 = tpu.memref_slice %arg5[%dma_start3A] : memref<6400xi32, #tpu.memory_space<vmem>> -> memref<128xi32, #tpu.memory_space<vmem>>
    %dma_start3A_4 = arith.constant 0 : i32
    %dma_start3A_5 = arith.constant 0 : i32
    %dma_start3A_6 = tpu.memref_slice %arg3[%dma_start3A_4, %dma_start3A_5] : memref<100000x128xf32, #tpu.memory_space<hbm>> -> memref<100000x128xf32, #tpu.memory_space<hbm>>
    tpu.enqueue_indirect_dma source(%dma_start3A_6 : memref<100000x128xf32, #tpu.memory_space<hbm>>) target(%arg6 : memref<128x128xf32, #tpu.memory_space<vmem>>) offsets(%dma_start3A_3 : memref<128xi32, #tpu.memory_space<vmem>>) semaphore(%arg13 : memref<!tpu.dma_semaphore, #tpu.memory_space<semaphore_mem>>)
    %dma_start3A_7 = arith.constant 128 : i32
    %dma_start3A_8 = tpu.memref_slice %arg5[%dma_start3A_7] : memref<6400xi32, #tpu.memory_space<vmem>> -> memref<128xi32, #tpu.memory_space<vmem>>
    %dma_start3A_9 = arith.constant 0 : i32
    %dma_start3A_10 = arith.constant 0 : i32
    %dma_start3A_11 = tpu.memref_slice %arg3[%dma_start3A_9, %dma_start3A_10] : memref<100000x128xf32, #tpu.memory_space<hbm>> -> memref<100000x128xf32, #tpu.memory_space<hbm>>
    tpu.enqueue_indirect_dma source(%dma_start3A_11 : memref<100000x128xf32, #tpu.memory_space<hbm>>) target(%arg7 : memref<128x128xf32, #tpu.memory_space<vmem>>) offsets(%dma_start3A_8 : memref<128xi32, #tpu.memory_space<vmem>>) semaphore(%arg14 : memref<!tpu.dma_semaphore, #tpu.memory_space<semaphore_mem>>)
    %dma_start3A_12 = arith.constant 256 : i32
    %dma_start3A_13 = tpu.memref_slice %arg5[%dma_start3A_12] : memref<6400xi32, #tpu.memory_space<vmem>> -> memref<128xi32, #tpu.memory_space<vmem>>
    %dma_start3A_14 = arith.constant 0 : i32
    %dma_start3A_15 = arith.constant 0 : i32
    %dma_start3A_16 = tpu.memref_slice %arg3[%dma_start3A_14, %dma_start3A_15] : memref<100000x128xf32, #tpu.memory_space<hbm>> -> memref<100000x128xf32, #tpu.memory_space<hbm>>
    tpu.enqueue_indirect_dma source(%dma_start3A_16 : memref<100000x128xf32, #tpu.memory_space<hbm>>) target(%arg8 : memref<128x128xf32, #tpu.memory_space<vmem>>) offsets(%dma_start3A_13 : memref<128xi32, #tpu.memory_space<vmem>>) semaphore(%arg15 : memref<!tpu.dma_semaphore, #tpu.memory_space<semaphore_mem>>)
    %dma_start3A_17 = arith.constant 384 : i32
    %dma_start3A_18 = tpu.memref_slice %arg5[%dma_start3A_17] : memref<6400xi32, #tpu.memory_space<vmem>> -> memref<128xi32, #tpu.memory_space<vmem>>
    %dma_start3A_19 = arith.constant 0 : i32
    %dma_start3A_20 = arith.constant 0 : i32
    %dma_start3A_21 = tpu.memref_slice %arg3[%dma_start3A_19, %dma_start3A_20] : memref<100000x128xf32, #tpu.memory_space<hbm>> -> memref<100000x128xf32, #tpu.memory_space<hbm>>
    tpu.enqueue_indirect_dma source(%dma_start3A_21 : memref<100000x128xf32, #tpu.memory_space<hbm>>) target(%arg9 : memref<128x128xf32, #tpu.memory_space<vmem>>) offsets(%dma_start3A_18 : memref<128xi32, #tpu.memory_space<vmem>>) semaphore(%arg16 : memref<!tpu.dma_semaphore, #tpu.memory_space<semaphore_mem>>)
    %dma_start3A_22 = arith.constant 512 : i32
    %dma_start3A_23 = tpu.memref_slice %arg5[%dma_start3A_22] : memref<6400xi32, #tpu.memory_space<vmem>> -> memref<128xi32, #tpu.memory_space<vmem>>
    %dma_start3A_24 = arith.constant 0 : i32
    %dma_start3A_25 = arith.constant 0 : i32
    %dma_start3A_26 = tpu.memref_slice %arg3[%dma_start3A_24, %dma_start3A_25] : memref<100000x128xf32, #tpu.memory_space<hbm>> -> memref<100000x128xf32, #tpu.memory_space<hbm>>
    tpu.enqueue_indirect_dma source(%dma_start3A_26 : memref<100000x128xf32, #tpu.memory_space<hbm>>) target(%arg10 : memref<128x128xf32, #tpu.memory_space<vmem>>) offsets(%dma_start3A_23 : memref<128xi32, #tpu.memory_space<vmem>>) semaphore(%arg17 : memref<!tpu.dma_semaphore, #tpu.memory_space<semaphore_mem>>)
    %dma_start3A_27 = arith.constant 640 : i32
    %dma_start3A_28 = tpu.memref_slice %arg5[%dma_start3A_27] : memref<6400xi32, #tpu.memory_space<vmem>> -> memref<128xi32, #tpu.memory_space<vmem>>
    %dma_start3A_29 = arith.constant 0 : i32
    %dma_start3A_30 = arith.constant 0 : i32
    %dma_start3A_31 = tpu.memref_slice %arg3[%dma_start3A_29, %dma_start3A_30] : memref<100000x128xf32, #tpu.memory_space<hbm>> -> memref<100000x128xf32, #tpu.memory_space<hbm>>
    tpu.enqueue_indirect_dma source(%dma_start3A_31 : memref<100000x128xf32, #tpu.memory_space<hbm>>) target(%arg11 : memref<128x128xf32, #tpu.memory_space<vmem>>) offsets(%dma_start3A_28 : memref<128xi32, #tpu.memory_space<vmem>>) semaphore(%arg18 : memref<!tpu.dma_semaphore, #tpu.memory_space<semaphore_mem>>)
    %dma_start3A_32 = arith.constant 768 : i32
    %dma_start3A_33 = tpu.memref_slice %arg5[%dma_start3A_32] : memref<6400xi32, #tpu.memory_space<vmem>> -> memref<128xi32, #tpu.memory_space<vmem>>
    %dma_start3A_34 = arith.constant 0 : i32
    %dma_start3A_35 = arith.constant 0 : i32
    %dma_start3A_36 = tpu.memref_slice %arg3[%dma_start3A_34, %dma_start3A_35] : memref<100000x128xf32, #tpu.memory_space<hbm>> -> memref<100000x128xf32, #tpu.memory_space<hbm>>
    tpu.enqueue_indirect_dma source(%dma_start3A_36 : memref<100000x128xf32, #tpu.memory_space<hbm>>) target(%arg12 : memref<128x128xf32, #tpu.memory_space<vmem>>) offsets(%dma_start3A_33 : memref<128xi32, #tpu.memory_space<vmem>>) semaphore(%arg19 : memref<!tpu.dma_semaphore, #tpu.memory_space<semaphore_mem>>)
    %dma_wait3A = arith.constant 0 : i32
    %dma_wait3A_37 = arith.constant 0 : i32
    %dma_wait3A_38 = tpu.memref_slice %arg3[%dma_wait3A, %dma_wait3A_37] : memref<100000x128xf32, #tpu.memory_space<hbm>> -> memref<128x128xf32, #tpu.memory_space<hbm>>
    %dma_wait3A_39 = arith.constant 0 : i32
    %dma_wait3A_40 = arith.constant 0 : i32
    %dma_wait3A_41 = tpu.memref_slice %arg3[%dma_wait3A_39, %dma_wait3A_40] : memref<100000x128xf32, #tpu.memory_space<hbm>> -> memref<128x128xf32, #tpu.memory_space<hbm>>
    tpu.wait_dma2 semaphore(%arg13 : memref<!tpu.dma_semaphore, #tpu.memory_space<semaphore_mem>>) src(%dma_wait3A_41 : memref<128x128xf32, #tpu.memory_space<hbm>>) dst(%arg6 : memref<128x128xf32, #tpu.memory_space<vmem>>)
    %add3A_42 = arith.constant 0 : i32
    %add3A_43 = arith.addi %mul3A_2, %add3A_42 : i32
    %dma_start3A_44 = arith.constant 0 : i32
    %dma_start3A_45 = tpu.memref_slice %arg4[%add3A_43, %dma_start3A_44] : memref<204800x128xf32, #tpu.memory_space<hbm>> -> memref<128x128xf32, #tpu.memory_space<hbm>>
    %dma_start3A_46 = arith.constant 0 : i32
    %dma_start3A_47 = tpu.memref_slice %arg4[%add3A_43, %dma_start3A_46] : memref<204800x128xf32, #tpu.memory_space<hbm>> -> memref<128x128xf32, #tpu.memory_space<hbm>>
    tpu.enqueue_dma source(%arg6 : memref<128x128xf32, #tpu.memory_space<vmem>>) target(%dma_start3A_47 : memref<128x128xf32, #tpu.memory_space<hbm>>) target_semaphore(%arg20 : memref<!tpu.dma_semaphore, #tpu.memory_space<semaphore_mem>>)
    %dma_wait3A_48 = arith.constant 0 : i32
    %dma_wait3A_49 = arith.constant 0 : i32
    %dma_wait3A_50 = tpu.memref_slice %arg3[%dma_wait3A_48, %dma_wait3A_49] : memref<100000x128xf32, #tpu.memory_space<hbm>> -> memref<128x128xf32, #tpu.memory_space<hbm>>
    %dma_wait3A_51 = arith.constant 0 : i32
    %dma_wait3A_52 = arith.constant 0 : i32
    %dma_wait3A_53 = tpu.memref_slice %arg3[%dma_wait3A_51, %dma_wait3A_52] : memref<100000x128xf32, #tpu.memory_space<hbm>> -> memref<128x128xf32, #tpu.memory_space<hbm>>
    tpu.wait_dma2 semaphore(%arg14 : memref<!tpu.dma_semaphore, #tpu.memory_space<semaphore_mem>>) src(%dma_wait3A_53 : memref<128x128xf32, #tpu.memory_space<hbm>>) dst(%arg7 : memref<128x128xf32, #tpu.memory_space<vmem>>)
    %add3A_54 = arith.constant 128 : i32
    %add3A_55 = arith.addi %mul3A_2, %add3A_54 : i32
    %dma_start3A_56 = arith.constant 0 : i32
    %dma_start3A_57 = tpu.memref_slice %arg4[%add3A_55, %dma_start3A_56] : memref<204800x128xf32, #tpu.memory_space<hbm>> -> memref<128x128xf32, #tpu.memory_space<hbm>>
    %dma_start3A_58 = arith.constant 0 : i32
    %dma_start3A_59 = tpu.memref_slice %arg4[%add3A_55, %dma_start3A_58] : memref<204800x128xf32, #tpu.memory_space<hbm>> -> memref<128x128xf32, #tpu.memory_space<hbm>>
    tpu.enqueue_dma source(%arg7 : memref<128x128xf32, #tpu.memory_space<vmem>>) target(%dma_start3A_59 : memref<128x128xf32, #tpu.memory_space<hbm>>) target_semaphore(%arg21 : memref<!tpu.dma_semaphore, #tpu.memory_space<semaphore_mem>>)
    %dma_wait3A_60 = arith.constant 0 : i32
    %dma_wait3A_61 = arith.constant 0 : i32
    %dma_wait3A_62 = tpu.memref_slice %arg3[%dma_wait3A_60, %dma_wait3A_61] : memref<100000x128xf32, #tpu.memory_space<hbm>> -> memref<128x128xf32, #tpu.memory_space<hbm>>
    %dma_wait3A_63 = arith.constant 0 : i32
    %dma_wait3A_64 = arith.constant 0 : i32
    %dma_wait3A_65 = tpu.memref_slice %arg3[%dma_wait3A_63, %dma_wait3A_64] : memref<100000x128xf32, #tpu.memory_space<hbm>> -> memref<128x128xf32, #tpu.memory_space<hbm>>
    tpu.wait_dma2 semaphore(%arg15 : memref<!tpu.dma_semaphore, #tpu.memory_space<semaphore_mem>>) src(%dma_wait3A_65 : memref<128x128xf32, #tpu.memory_space<hbm>>) dst(%arg8 : memref<128x128xf32, #tpu.memory_space<vmem>>)
    %add3A_66 = arith.constant 256 : i32
    %add3A_67 = arith.addi %mul3A_2, %add3A_66 : i32
    %dma_start3A_68 = arith.constant 0 : i32
    %dma_start3A_69 = tpu.memref_slice %arg4[%add3A_67, %dma_start3A_68] : memref<204800x128xf32, #tpu.memory_space<hbm>> -> memref<128x128xf32, #tpu.memory_space<hbm>>
    %dma_start3A_70 = arith.constant 0 : i32
    %dma_start3A_71 = tpu.memref_slice %arg4[%add3A_67, %dma_start3A_70] : memref<204800x128xf32, #tpu.memory_space<hbm>> -> memref<128x128xf32, #tpu.memory_space<hbm>>
    tpu.enqueue_dma source(%arg8 : memref<128x128xf32, #tpu.memory_space<vmem>>) target(%dma_start3A_71 : memref<128x128xf32, #tpu.memory_space<hbm>>) target_semaphore(%arg22 : memref<!tpu.dma_semaphore, #tpu.memory_space<semaphore_mem>>)
    %scan3A = arith.constant 0 : i32
    %scan3A_72 = arith.constant 6 : i32
    %scan3A_73 = arith.addi %scan3A, %scan3A_72 : i32
    %scan3A_74 = arith.constant 1 : i32
    scf.for %scan3A_189 = %scan3A to %scan3A_73 step %scan3A_74  : i32 {
      %mul3A_190 = arith.constant 7 : i32
      %mul3A_191 = arith.muli %scan3A_189, %mul3A_190 : i32
      %add3A_192 = arith.constant 3 : i32
      %add3A_193 = arith.addi %add3A_192, %mul3A_191 : i32
      %add3A_194 = arith.constant 0 : i32
      %add3A_195 = arith.addi %add3A_193, %add3A_194 : i32
      %sub3A = arith.constant 3 : i32
      %sub3A_196 = arith.subi %add3A_195, %sub3A : i32
      %mul3A_197 = arith.constant 128 : i32
      %mul3A_198 = arith.muli %sub3A_196, %mul3A_197 : i32
      %add3A_199 = arith.addi %mul3A_2, %mul3A_198 : i32
      %dma_wait3A_200 = arith.constant 0 : i32
      %dma_wait3A_201 = tpu.memref_slice %arg4[%add3A_199, %dma_wait3A_200] : memref<204800x128xf32, #tpu.memory_space<hbm>> -> memref<128x128xf32, #tpu.memory_space<hbm>>
      %dma_wait3A_202 = arith.constant 0 : i32
      %dma_wait3A_203 = tpu.memref_slice %arg4[%add3A_199, %dma_wait3A_202] : memref<204800x128xf32, #tpu.memory_space<hbm>> -> memref<128x128xf32, #tpu.memory_space<hbm>>
      tpu.wait_dma2 semaphore(%arg20 : memref<!tpu.dma_semaphore, #tpu.memory_space<semaphore_mem>>) src(%arg6 : memref<128x128xf32, #tpu.memory_space<vmem>>) dst(%dma_wait3A_203 : memref<128x128xf32, #tpu.memory_space<hbm>>)
      %sub3A_204 = arith.constant 3 : i32
      %sub3A_205 = arith.subi %add3A_195, %sub3A_204 : i32
      %add3A_206 = arith.constant 7 : i32
      %add3A_207 = arith.addi %sub3A_205, %add3A_206 : i32
      %mul3A_208 = arith.constant 128 : i32
      %mul3A_209 = arith.muli %add3A_207, %mul3A_208 : i32
      %dma_start3A_210 = tpu.memref_slice %arg5[%mul3A_209] : memref<6400xi32, #tpu.memory_space<vmem>> -> memref<128xi32, #tpu.memory_space<vmem>>
      %dma_start3A_211 = arith.constant 0 : i32
      %dma_start3A_212 = arith.constant 0 : i32
      %dma_start3A_213 = tpu.memref_slice %arg3[%dma_start3A_211, %dma_start3A_212] : memref<100000x128xf32, #tpu.memory_space<hbm>> -> memref<100000x128xf32, #tpu.memory_space<hbm>>
      tpu.enqueue_indirect_dma source(%dma_start3A_213 : memref<100000x128xf32, #tpu.memory_space<hbm>>) target(%arg6 : memref<128x128xf32, #tpu.memory_space<vmem>>) offsets(%dma_start3A_210 : memref<128xi32, #tpu.memory_space<vmem>>) semaphore(%arg13 : memref<!tpu.dma_semaphore, #tpu.memory_space<semaphore_mem>>)
      %dma_wait3A_214 = arith.constant 0 : i32
      %dma_wait3A_215 = arith.constant 0 : i32
      %dma_wait3A_216 = tpu.memref_slice %arg3[%dma_wait3A_214, %dma_wait3A_215] : memref<100000x128xf32, #tpu.memory_space<hbm>> -> memref<128x128xf32, #tpu.memory_space<hbm>>
      %dma_wait3A_217 = arith.constant 0 : i32
      %dma_wait3A_218 = arith.constant 0 : i32
      %dma_wait3A_219 = tpu.memref_slice %arg3[%dma_wait3A_217, %dma_wait3A_218] : memref<100000x128xf32, #tpu.memory_space<hbm>> -> memref<128x128xf32, #tpu.memory_space<hbm>>
      tpu.wait_dma2 semaphore(%arg16 : memref<!tpu.dma_semaphore, #tpu.memory_space<semaphore_mem>>) src(%dma_wait3A_219 : memref<128x128xf32, #tpu.memory_space<hbm>>) dst(%arg9 : memref<128x128xf32, #tpu.memory_space<vmem>>)
      %mul3A_220 = arith.constant 128 : i32
      %mul3A_221 = arith.muli %add3A_195, %mul3A_220 : i32
      %add3A_222 = arith.addi %mul3A_2, %mul3A_221 : i32
      %dma_start3A_223 = arith.constant 0 : i32
      %dma_start3A_224 = tpu.memref_slice %arg4[%add3A_222, %dma_start3A_223] : memref<204800x128xf32, #tpu.memory_space<hbm>> -> memref<128x128xf32, #tpu.memory_space<hbm>>
      %dma_start3A_225 = arith.constant 0 : i32
      %dma_start3A_226 = tpu.memref_slice %arg4[%add3A_222, %dma_start3A_225] : memref<204800x128xf32, #tpu.memory_space<hbm>> -> memref<128x128xf32, #tpu.memory_space<hbm>>
      tpu.enqueue_dma source(%arg9 : memref<128x128xf32, #tpu.memory_space<vmem>>) target(%dma_start3A_226 : memref<128x128xf32, #tpu.memory_space<hbm>>) target_semaphore(%arg23 : memref<!tpu.dma_semaphore, #tpu.memory_space<semaphore_mem>>)
      %add3A_227 = arith.constant 1 : i32
      %add3A_228 = arith.addi %add3A_193, %add3A_227 : i32
      %sub3A_229 = arith.constant 3 : i32
      %sub3A_230 = arith.subi %add3A_228, %sub3A_229 : i32
      %mul3A_231 = arith.constant 128 : i32
      %mul3A_232 = arith.muli %sub3A_230, %mul3A_231 : i32
      %add3A_233 = arith.addi %mul3A_2, %mul3A_232 : i32
      %dma_wait3A_234 = arith.constant 0 : i32
      %dma_wait3A_235 = tpu.memref_slice %arg4[%add3A_233, %dma_wait3A_234] : memref<204800x128xf32, #tpu.memory_space<hbm>> -> memref<128x128xf32, #tpu.memory_space<hbm>>
      %dma_wait3A_236 = arith.constant 0 : i32
      %dma_wait3A_237 = tpu.memref_slice %arg4[%add3A_233, %dma_wait3A_236] : memref<204800x128xf32, #tpu.memory_space<hbm>> -> memref<128x128xf32, #tpu.memory_space<hbm>>
      tpu.wait_dma2 semaphore(%arg21 : memref<!tpu.dma_semaphore, #tpu.memory_space<semaphore_mem>>) src(%arg7 : memref<128x128xf32, #tpu.memory_space<vmem>>) dst(%dma_wait3A_237 : memref<128x128xf32, #tpu.memory_space<hbm>>)
      %sub3A_238 = arith.constant 3 : i32
      %sub3A_239 = arith.subi %add3A_228, %sub3A_238 : i32
      %add3A_240 = arith.constant 7 : i32
      %add3A_241 = arith.addi %sub3A_239, %add3A_240 : i32
      %mul3A_242 = arith.constant 128 : i32
      %mul3A_243 = arith.muli %add3A_241, %mul3A_242 : i32
      %dma_start3A_244 = tpu.memref_slice %arg5[%mul3A_243] : memref<6400xi32, #tpu.memory_space<vmem>> -> memref<128xi32, #tpu.memory_space<vmem>>
      %dma_start3A_245 = arith.constant 0 : i32
      %dma_start3A_246 = arith.constant 0 : i32
      %dma_start3A_247 = tpu.memref_slice %arg3[%dma_start3A_245, %dma_start3A_246] : memref<100000x128xf32, #tpu.memory_space<hbm>> -> memref<100000x128xf32, #tpu.memory_space<hbm>>
      tpu.enqueue_indirect_dma source(%dma_start3A_247 : memref<100000x128xf32, #tpu.memory_space<hbm>>) target(%arg7 : memref<128x128xf32, #tpu.memory_space<vmem>>) offsets(%dma_start3A_244 : memref<128xi32, #tpu.memory_space<vmem>>) semaphore(%arg14 : memref<!tpu.dma_semaphore, #tpu.memory_space<semaphore_mem>>)
      %dma_wait3A_248 = arith.constant 0 : i32
      %dma_wait3A_249 = arith.constant 0 : i32
      %dma_wait3A_250 = tpu.memref_slice %arg3[%dma_wait3A_248, %dma_wait3A_249] : memref<100000x128xf32, #tpu.memory_space<hbm>> -> memref<128x128xf32, #tpu.memory_space<hbm>>
      %dma_wait3A_251 = arith.constant 0 : i32
      %dma_wait3A_252 = arith.constant 0 : i32
      %dma_wait3A_253 = tpu.memref_slice %arg3[%dma_wait3A_251, %dma_wait3A_252] : memref<100000x128xf32, #tpu.memory_space<hbm>> -> memref<128x128xf32, #tpu.memory_space<hbm>>
      tpu.wait_dma2 semaphore(%arg17 : memref<!tpu.dma_semaphore, #tpu.memory_space<semaphore_mem>>) src(%dma_wait3A_253 : memref<128x128xf32, #tpu.memory_space<hbm>>) dst(%arg10 : memref<128x128xf32, #tpu.memory_space<vmem>>)
      %mul3A_254 = arith.constant 128 : i32
      %mul3A_255 = arith.muli %add3A_228, %mul3A_254 : i32
      %add3A_256 = arith.addi %mul3A_2, %mul3A_255 : i32
      %dma_start3A_257 = arith.constant 0 : i32
      %dma_start3A_258 = tpu.memref_slice %arg4[%add3A_256, %dma_start3A_257] : memref<204800x128xf32, #tpu.memory_space<hbm>> -> memref<128x128xf32, #tpu.memory_space<hbm>>
      %dma_start3A_259 = arith.constant 0 : i32
      %dma_start3A_260 = tpu.memref_slice %arg4[%add3A_256, %dma_start3A_259] : memref<204800x128xf32, #tpu.memory_space<hbm>> -> memref<128x128xf32, #tpu.memory_space<hbm>>
      tpu.enqueue_dma source(%arg10 : memref<128x128xf32, #tpu.memory_space<vmem>>) target(%dma_start3A_260 : memref<128x128xf32, #tpu.memory_space<hbm>>) target_semaphore(%arg24 : memref<!tpu.dma_semaphore, #tpu.memory_space<semaphore_mem>>)
      %add3A_261 = arith.constant 2 : i32
      %add3A_262 = arith.addi %add3A_193, %add3A_261 : i32
      %sub3A_263 = arith.constant 3 : i32
      %sub3A_264 = arith.subi %add3A_262, %sub3A_263 : i32
      %mul3A_265 = arith.constant 128 : i32
      %mul3A_266 = arith.muli %sub3A_264, %mul3A_265 : i32
      %add3A_267 = arith.addi %mul3A_2, %mul3A_266 : i32
      %dma_wait3A_268 = arith.constant 0 : i32
      %dma_wait3A_269 = tpu.memref_slice %arg4[%add3A_267, %dma_wait3A_268] : memref<204800x128xf32, #tpu.memory_space<hbm>> -> memref<128x128xf32, #tpu.memory_space<hbm>>
      %dma_wait3A_270 = arith.constant 0 : i32
      %dma_wait3A_271 = tpu.memref_slice %arg4[%add3A_267, %dma_wait3A_270] : memref<204800x128xf32, #tpu.memory_space<hbm>> -> memref<128x128xf32, #tpu.memory_space<hbm>>
      tpu.wait_dma2 semaphore(%arg22 : memref<!tpu.dma_semaphore, #tpu.memory_space<semaphore_mem>>) src(%arg8 : memref<128x128xf32, #tpu.memory_space<vmem>>) dst(%dma_wait3A_271 : memref<128x128xf32, #tpu.memory_space<hbm>>)
      %sub3A_272 = arith.constant 3 : i32
      %sub3A_273 = arith.subi %add3A_262, %sub3A_272 : i32
      %add3A_274 = arith.constant 7 : i32
      %add3A_275 = arith.addi %sub3A_273, %add3A_274 : i32
      %mul3A_276 = arith.constant 128 : i32
      %mul3A_277 = arith.muli %add3A_275, %mul3A_276 : i32
      %dma_start3A_278 = tpu.memref_slice %arg5[%mul3A_277] : memref<6400xi32, #tpu.memory_space<vmem>> -> memref<128xi32, #tpu.memory_space<vmem>>
      %dma_start3A_279 = arith.constant 0 : i32
      %dma_start3A_280 = arith.constant 0 : i32
      %dma_start3A_281 = tpu.memref_slice %arg3[%dma_start3A_279, %dma_start3A_280] : memref<100000x128xf32, #tpu.memory_space<hbm>> -> memref<100000x128xf32, #tpu.memory_space<hbm>>
      tpu.enqueue_indirect_dma source(%dma_start3A_281 : memref<100000x128xf32, #tpu.memory_space<hbm>>) target(%arg8 : memref<128x128xf32, #tpu.memory_space<vmem>>) offsets(%dma_start3A_278 : memref<128xi32, #tpu.memory_space<vmem>>) semaphore(%arg15 : memref<!tpu.dma_semaphore, #tpu.memory_space<semaphore_mem>>)
      %dma_wait3A_282 = arith.constant 0 : i32
      %dma_wait3A_283 = arith.constant 0 : i32
      %dma_wait3A_284 = tpu.memref_slice %arg3[%dma_wait3A_282, %dma_wait3A_283] : memref<100000x128xf32, #tpu.memory_space<hbm>> -> memref<128x128xf32, #tpu.memory_space<hbm>>
      %dma_wait3A_285 = arith.constant 0 : i32
      %dma_wait3A_286 = arith.constant 0 : i32
      %dma_wait3A_287 = tpu.memref_slice %arg3[%dma_wait3A_285, %dma_wait3A_286] : memref<100000x128xf32, #tpu.memory_space<hbm>> -> memref<128x128xf32, #tpu.memory_space<hbm>>
      tpu.wait_dma2 semaphore(%arg18 : memref<!tpu.dma_semaphore, #tpu.memory_space<semaphore_mem>>) src(%dma_wait3A_287 : memref<128x128xf32, #tpu.memory_space<hbm>>) dst(%arg11 : memref<128x128xf32, #tpu.memory_space<vmem>>)
      %mul3A_288 = arith.constant 128 : i32
      %mul3A_289 = arith.muli %add3A_262, %mul3A_288 : i32
      %add3A_290 = arith.addi %mul3A_2, %mul3A_289 : i32
      %dma_start3A_291 = arith.constant 0 : i32
      %dma_start3A_292 = tpu.memref_slice %arg4[%add3A_290, %dma_start3A_291] : memref<204800x128xf32, #tpu.memory_space<hbm>> -> memref<128x128xf32, #tpu.memory_space<hbm>>
      %dma_start3A_293 = arith.constant 0 : i32
      %dma_start3A_294 = tpu.memref_slice %arg4[%add3A_290, %dma_start3A_293] : memref<204800x128xf32, #tpu.memory_space<hbm>> -> memref<128x128xf32, #tpu.memory_space<hbm>>
      tpu.enqueue_dma source(%arg11 : memref<128x128xf32, #tpu.memory_space<vmem>>) target(%dma_start3A_294 : memref<128x128xf32, #tpu.memory_space<hbm>>) target_semaphore(%arg25 : memref<!tpu.dma_semaphore, #tpu.memory_space<semaphore_mem>>)
      %add3A_295 = arith.constant 3 : i32
      %add3A_296 = arith.addi %add3A_193, %add3A_295 : i32
      %sub3A_297 = arith.constant 3 : i32
      %sub3A_298 = arith.subi %add3A_296, %sub3A_297 : i32
      %mul3A_299 = arith.constant 128 : i32
      %mul3A_300 = arith.muli %sub3A_298, %mul3A_299 : i32
      %add3A_301 = arith.addi %mul3A_2, %mul3A_300 : i32
      %dma_wait3A_302 = arith.constant 0 : i32
      %dma_wait3A_303 = tpu.memref_slice %arg4[%add3A_301, %dma_wait3A_302] : memref<204800x128xf32, #tpu.memory_space<hbm>> -> memref<128x128xf32, #tpu.memory_space<hbm>>
      %dma_wait3A_304 = arith.constant 0 : i32
      %dma_wait3A_305 = tpu.memref_slice %arg4[%add3A_301, %dma_wait3A_304] : memref<204800x128xf32, #tpu.memory_space<hbm>> -> memref<128x128xf32, #tpu.memory_space<hbm>>
      tpu.wait_dma2 semaphore(%arg23 : memref<!tpu.dma_semaphore, #tpu.memory_space<semaphore_mem>>) src(%arg9 : memref<128x128xf32, #tpu.memory_space<vmem>>) dst(%dma_wait3A_305 : memref<128x128xf32, #tpu.memory_space<hbm>>)
      %sub3A_306 = arith.constant 3 : i32
      %sub3A_307 = arith.subi %add3A_296, %sub3A_306 : i32
      %add3A_308 = arith.constant 7 : i32
      %add3A_309 = arith.addi %sub3A_307, %add3A_308 : i32
      %mul3A_310 = arith.constant 128 : i32
      %mul3A_311 = arith.muli %add3A_309, %mul3A_310 : i32
      %dma_start3A_312 = tpu.memref_slice %arg5[%mul3A_311] : memref<6400xi32, #tpu.memory_space<vmem>> -> memref<128xi32, #tpu.memory_space<vmem>>
      %dma_start3A_313 = arith.constant 0 : i32
      %dma_start3A_314 = arith.constant 0 : i32
      %dma_start3A_315 = tpu.memref_slice %arg3[%dma_start3A_313, %dma_start3A_314] : memref<100000x128xf32, #tpu.memory_space<hbm>> -> memref<100000x128xf32, #tpu.memory_space<hbm>>
      tpu.enqueue_indirect_dma source(%dma_start3A_315 : memref<100000x128xf32, #tpu.memory_space<hbm>>) target(%arg9 : memref<128x128xf32, #tpu.memory_space<vmem>>) offsets(%dma_start3A_312 : memref<128xi32, #tpu.memory_space<vmem>>) semaphore(%arg16 : memref<!tpu.dma_semaphore, #tpu.memory_space<semaphore_mem>>)
      %dma_wait3A_316 = arith.constant 0 : i32
      %dma_wait3A_317 = arith.constant 0 : i32
      %dma_wait3A_318 = tpu.memref_slice %arg3[%dma_wait3A_316, %dma_wait3A_317] : memref<100000x128xf32, #tpu.memory_space<hbm>> -> memref<128x128xf32, #tpu.memory_space<hbm>>
      %dma_wait3A_319 = arith.constant 0 : i32
      %dma_wait3A_320 = arith.constant 0 : i32
      %dma_wait3A_321 = tpu.memref_slice %arg3[%dma_wait3A_319, %dma_wait3A_320] : memref<100000x128xf32, #tpu.memory_space<hbm>> -> memref<128x128xf32, #tpu.memory_space<hbm>>
      tpu.wait_dma2 semaphore(%arg19 : memref<!tpu.dma_semaphore, #tpu.memory_space<semaphore_mem>>) src(%dma_wait3A_321 : memref<128x128xf32, #tpu.memory_space<hbm>>) dst(%arg12 : memref<128x128xf32, #tpu.memory_space<vmem>>)
      %mul3A_322 = arith.constant 128 : i32
      %mul3A_323 = arith.muli %add3A_296, %mul3A_322 : i32
      %add3A_324 = arith.addi %mul3A_2, %mul3A_323 : i32
      %dma_start3A_325 = arith.constant 0 : i32
      %dma_start3A_326 = tpu.memref_slice %arg4[%add3A_324, %dma_start3A_325] : memref<204800x128xf32, #tpu.memory_space<hbm>> -> memref<128x128xf32, #tpu.memory_space<hbm>>
      %dma_start3A_327 = arith.constant 0 : i32
      %dma_start3A_328 = tpu.memref_slice %arg4[%add3A_324, %dma_start3A_327] : memref<204800x128xf32, #tpu.memory_space<hbm>> -> memref<128x128xf32, #tpu.memory_space<hbm>>
      tpu.enqueue_dma source(%arg12 : memref<128x128xf32, #tpu.memory_space<vmem>>) target(%dma_start3A_328 : memref<128x128xf32, #tpu.memory_space<hbm>>) target_semaphore(%arg26 : memref<!tpu.dma_semaphore, #tpu.memory_space<semaphore_mem>>)
      %add3A_329 = arith.constant 4 : i32
      %add3A_330 = arith.addi %add3A_193, %add3A_329 : i32
      %sub3A_331 = arith.constant 3 : i32
      %sub3A_332 = arith.subi %add3A_330, %sub3A_331 : i32
      %mul3A_333 = arith.constant 128 : i32
      %mul3A_334 = arith.muli %sub3A_332, %mul3A_333 : i32
      %add3A_335 = arith.addi %mul3A_2, %mul3A_334 : i32
      %dma_wait3A_336 = arith.constant 0 : i32
      %dma_wait3A_337 = tpu.memref_slice %arg4[%add3A_335, %dma_wait3A_336] : memref<204800x128xf32, #tpu.memory_space<hbm>> -> memref<128x128xf32, #tpu.memory_space<hbm>>
      %dma_wait3A_338 = arith.constant 0 : i32
      %dma_wait3A_339 = tpu.memref_slice %arg4[%add3A_335, %dma_wait3A_338] : memref<204800x128xf32, #tpu.memory_space<hbm>> -> memref<128x128xf32, #tpu.memory_space<hbm>>
      tpu.wait_dma2 semaphore(%arg24 : memref<!tpu.dma_semaphore, #tpu.memory_space<semaphore_mem>>) src(%arg10 : memref<128x128xf32, #tpu.memory_space<vmem>>) dst(%dma_wait3A_339 : memref<128x128xf32, #tpu.memory_space<hbm>>)
      %sub3A_340 = arith.constant 3 : i32
      %sub3A_341 = arith.subi %add3A_330, %sub3A_340 : i32
      %add3A_342 = arith.constant 7 : i32
      %add3A_343 = arith.addi %sub3A_341, %add3A_342 : i32
      %mul3A_344 = arith.constant 128 : i32
      %mul3A_345 = arith.muli %add3A_343, %mul3A_344 : i32
      %dma_start3A_346 = tpu.memref_slice %arg5[%mul3A_345] : memref<6400xi32, #tpu.memory_space<vmem>> -> memref<128xi32, #tpu.memory_space<vmem>>
      %dma_start3A_347 = arith.constant 0 : i32
      %dma_start3A_348 = arith.constant 0 : i32
      %dma_start3A_349 = tpu.memref_slice %arg3[%dma_start3A_347, %dma_start3A_348] : memref<100000x128xf32, #tpu.memory_space<hbm>> -> memref<100000x128xf32, #tpu.memory_space<hbm>>
      tpu.enqueue_indirect_dma source(%dma_start3A_349 : memref<100000x128xf32, #tpu.memory_space<hbm>>) target(%arg10 : memref<128x128xf32, #tpu.memory_space<vmem>>) offsets(%dma_start3A_346 : memref<128xi32, #tpu.memory_space<vmem>>) semaphore(%arg17 : memref<!tpu.dma_semaphore, #tpu.memory_space<semaphore_mem>>)
      %dma_wait3A_350 = arith.constant 0 : i32
      %dma_wait3A_351 = arith.constant 0 : i32
      %dma_wait3A_352 = tpu.memref_slice %arg3[%dma_wait3A_350, %dma_wait3A_351] : memref<100000x128xf32, #tpu.memory_space<hbm>> -> memref<128x128xf32, #tpu.memory_space<hbm>>
      %dma_wait3A_353 = arith.constant 0 : i32
      %dma_wait3A_354 = arith.constant 0 : i32
      %dma_wait3A_355 = tpu.memref_slice %arg3[%dma_wait3A_353, %dma_wait3A_354] : memref<100000x128xf32, #tpu.memory_space<hbm>> -> memref<128x128xf32, #tpu.memory_space<hbm>>
      tpu.wait_dma2 semaphore(%arg13 : memref<!tpu.dma_semaphore, #tpu.memory_space<semaphore_mem>>) src(%dma_wait3A_355 : memref<128x128xf32, #tpu.memory_space<hbm>>) dst(%arg6 : memref<128x128xf32, #tpu.memory_space<vmem>>)
      %mul3A_356 = arith.constant 128 : i32
      %mul3A_357 = arith.muli %add3A_330, %mul3A_356 : i32
      %add3A_358 = arith.addi %mul3A_2, %mul3A_357 : i32
      %dma_start3A_359 = arith.constant 0 : i32
      %dma_start3A_360 = tpu.memref_slice %arg4[%add3A_358, %dma_start3A_359] : memref<204800x128xf32, #tpu.memory_space<hbm>> -> memref<128x128xf32, #tpu.memory_space<hbm>>
      %dma_start3A_361 = arith.constant 0 : i32
      %dma_start3A_362 = tpu.memref_slice %arg4[%add3A_358, %dma_start3A_361] : memref<204800x128xf32, #tpu.memory_space<hbm>> -> memref<128x128xf32, #tpu.memory_space<hbm>>
      tpu.enqueue_dma source(%arg6 : memref<128x128xf32, #tpu.memory_space<vmem>>) target(%dma_start3A_362 : memref<128x128xf32, #tpu.memory_space<hbm>>) target_semaphore(%arg20 : memref<!tpu.dma_semaphore, #tpu.memory_space<semaphore_mem>>)
      %add3A_363 = arith.constant 5 : i32
      %add3A_364 = arith.addi %add3A_193, %add3A_363 : i32
      %sub3A_365 = arith.constant 3 : i32
      %sub3A_366 = arith.subi %add3A_364, %sub3A_365 : i32
      %mul3A_367 = arith.constant 128 : i32
      %mul3A_368 = arith.muli %sub3A_366, %mul3A_367 : i32
      %add3A_369 = arith.addi %mul3A_2, %mul3A_368 : i32
      %dma_wait3A_370 = arith.constant 0 : i32
      %dma_wait3A_371 = tpu.memref_slice %arg4[%add3A_369, %dma_wait3A_370] : memref<204800x128xf32, #tpu.memory_space<hbm>> -> memref<128x128xf32, #tpu.memory_space<hbm>>
      %dma_wait3A_372 = arith.constant 0 : i32
      %dma_wait3A_373 = tpu.memref_slice %arg4[%add3A_369, %dma_wait3A_372] : memref<204800x128xf32, #tpu.memory_space<hbm>> -> memref<128x128xf32, #tpu.memory_space<hbm>>
      tpu.wait_dma2 semaphore(%arg25 : memref<!tpu.dma_semaphore, #tpu.memory_space<semaphore_mem>>) src(%arg11 : memref<128x128xf32, #tpu.memory_space<vmem>>) dst(%dma_wait3A_373 : memref<128x128xf32, #tpu.memory_space<hbm>>)
      %sub3A_374 = arith.constant 3 : i32
      %sub3A_375 = arith.subi %add3A_364, %sub3A_374 : i32
      %add3A_376 = arith.constant 7 : i32
      %add3A_377 = arith.addi %sub3A_375, %add3A_376 : i32
      %mul3A_378 = arith.constant 128 : i32
      %mul3A_379 = arith.muli %add3A_377, %mul3A_378 : i32
      %dma_start3A_380 = tpu.memref_slice %arg5[%mul3A_379] : memref<6400xi32, #tpu.memory_space<vmem>> -> memref<128xi32, #tpu.memory_space<vmem>>
      %dma_start3A_381 = arith.constant 0 : i32
      %dma_start3A_382 = arith.constant 0 : i32
      %dma_start3A_383 = tpu.memref_slice %arg3[%dma_start3A_381, %dma_start3A_382] : memref<100000x128xf32, #tpu.memory_space<hbm>> -> memref<100000x128xf32, #tpu.memory_space<hbm>>
      tpu.enqueue_indirect_dma source(%dma_start3A_383 : memref<100000x128xf32, #tpu.memory_space<hbm>>) target(%arg11 : memref<128x128xf32, #tpu.memory_space<vmem>>) offsets(%dma_start3A_380 : memref<128xi32, #tpu.memory_space<vmem>>) semaphore(%arg18 : memref<!tpu.dma_semaphore, #tpu.memory_space<semaphore_mem>>)
      %dma_wait3A_384 = arith.constant 0 : i32
      %dma_wait3A_385 = arith.constant 0 : i32
      %dma_wait3A_386 = tpu.memref_slice %arg3[%dma_wait3A_384, %dma_wait3A_385] : memref<100000x128xf32, #tpu.memory_space<hbm>> -> memref<128x128xf32, #tpu.memory_space<hbm>>
      %dma_wait3A_387 = arith.constant 0 : i32
      %dma_wait3A_388 = arith.constant 0 : i32
      %dma_wait3A_389 = tpu.memref_slice %arg3[%dma_wait3A_387, %dma_wait3A_388] : memref<100000x128xf32, #tpu.memory_space<hbm>> -> memref<128x128xf32, #tpu.memory_space<hbm>>
      tpu.wait_dma2 semaphore(%arg14 : memref<!tpu.dma_semaphore, #tpu.memory_space<semaphore_mem>>) src(%dma_wait3A_389 : memref<128x128xf32, #tpu.memory_space<hbm>>) dst(%arg7 : memref<128x128xf32, #tpu.memory_space<vmem>>)
      %mul3A_390 = arith.constant 128 : i32
      %mul3A_391 = arith.muli %add3A_364, %mul3A_390 : i32
      %add3A_392 = arith.addi %mul3A_2, %mul3A_391 : i32
      %dma_start3A_393 = arith.constant 0 : i32
      %dma_start3A_394 = tpu.memref_slice %arg4[%add3A_392, %dma_start3A_393] : memref<204800x128xf32, #tpu.memory_space<hbm>> -> memref<128x128xf32, #tpu.memory_space<hbm>>
      %dma_start3A_395 = arith.constant 0 : i32
      %dma_start3A_396 = tpu.memref_slice %arg4[%add3A_392, %dma_start3A_395] : memref<204800x128xf32, #tpu.memory_space<hbm>> -> memref<128x128xf32, #tpu.memory_space<hbm>>
      tpu.enqueue_dma source(%arg7 : memref<128x128xf32, #tpu.memory_space<vmem>>) target(%dma_start3A_396 : memref<128x128xf32, #tpu.memory_space<hbm>>) target_semaphore(%arg21 : memref<!tpu.dma_semaphore, #tpu.memory_space<semaphore_mem>>)
      %add3A_397 = arith.constant 6 : i32
      %add3A_398 = arith.addi %add3A_193, %add3A_397 : i32
      %sub3A_399 = arith.constant 3 : i32
      %sub3A_400 = arith.subi %add3A_398, %sub3A_399 : i32
      %mul3A_401 = arith.constant 128 : i32
      %mul3A_402 = arith.muli %sub3A_400, %mul3A_401 : i32
      %add3A_403 = arith.addi %mul3A_2, %mul3A_402 : i32
      %dma_wait3A_404 = arith.constant 0 : i32
      %dma_wait3A_405 = tpu.memref_slice %arg4[%add3A_403, %dma_wait3A_404] : memref<204800x128xf32, #tpu.memory_space<hbm>> -> memref<128x128xf32, #tpu.memory_space<hbm>>
      %dma_wait3A_406 = arith.constant 0 : i32
      %dma_wait3A_407 = tpu.memref_slice %arg4[%add3A_403, %dma_wait3A_406] : memref<204800x128xf32, #tpu.memory_space<hbm>> -> memref<128x128xf32, #tpu.memory_space<hbm>>
      tpu.wait_dma2 semaphore(%arg26 : memref<!tpu.dma_semaphore, #tpu.memory_space<semaphore_mem>>) src(%arg12 : memref<128x128xf32, #tpu.memory_space<vmem>>) dst(%dma_wait3A_407 : memref<128x128xf32, #tpu.memory_space<hbm>>)
      %sub3A_408 = arith.constant 3 : i32
      %sub3A_409 = arith.subi %add3A_398, %sub3A_408 : i32
      %add3A_410 = arith.constant 7 : i32
      %add3A_411 = arith.addi %sub3A_409, %add3A_410 : i32
      %mul3A_412 = arith.constant 128 : i32
      %mul3A_413 = arith.muli %add3A_411, %mul3A_412 : i32
      %dma_start3A_414 = tpu.memref_slice %arg5[%mul3A_413] : memref<6400xi32, #tpu.memory_space<vmem>> -> memref<128xi32, #tpu.memory_space<vmem>>
      %dma_start3A_415 = arith.constant 0 : i32
      %dma_start3A_416 = arith.constant 0 : i32
      %dma_start3A_417 = tpu.memref_slice %arg3[%dma_start3A_415, %dma_start3A_416] : memref<100000x128xf32, #tpu.memory_space<hbm>> -> memref<100000x128xf32, #tpu.memory_space<hbm>>
      tpu.enqueue_indirect_dma source(%dma_start3A_417 : memref<100000x128xf32, #tpu.memory_space<hbm>>) target(%arg12 : memref<128x128xf32, #tpu.memory_space<vmem>>) offsets(%dma_start3A_414 : memref<128xi32, #tpu.memory_space<vmem>>) semaphore(%arg19 : memref<!tpu.dma_semaphore, #tpu.memory_space<semaphore_mem>>)
      %dma_wait3A_418 = arith.constant 0 : i32
      %dma_wait3A_419 = arith.constant 0 : i32
      %dma_wait3A_420 = tpu.memref_slice %arg3[%dma_wait3A_418, %dma_wait3A_419] : memref<100000x128xf32, #tpu.memory_space<hbm>> -> memref<128x128xf32, #tpu.memory_space<hbm>>
      %dma_wait3A_421 = arith.constant 0 : i32
      %dma_wait3A_422 = arith.constant 0 : i32
      %dma_wait3A_423 = tpu.memref_slice %arg3[%dma_wait3A_421, %dma_wait3A_422] : memref<100000x128xf32, #tpu.memory_space<hbm>> -> memref<128x128xf32, #tpu.memory_space<hbm>>
      tpu.wait_dma2 semaphore(%arg15 : memref<!tpu.dma_semaphore, #tpu.memory_space<semaphore_mem>>) src(%dma_wait3A_423 : memref<128x128xf32, #tpu.memory_space<hbm>>) dst(%arg8 : memref<128x128xf32, #tpu.memory_space<vmem>>)
      %mul3A_424 = arith.constant 128 : i32
      %mul3A_425 = arith.muli %add3A_398, %mul3A_424 : i32
      %add3A_426 = arith.addi %mul3A_2, %mul3A_425 : i32
      %dma_start3A_427 = arith.constant 0 : i32
      %dma_start3A_428 = tpu.memref_slice %arg4[%add3A_426, %dma_start3A_427] : memref<204800x128xf32, #tpu.memory_space<hbm>> -> memref<128x128xf32, #tpu.memory_space<hbm>>
      %dma_start3A_429 = arith.constant 0 : i32
      %dma_start3A_430 = tpu.memref_slice %arg4[%add3A_426, %dma_start3A_429] : memref<204800x128xf32, #tpu.memory_space<hbm>> -> memref<128x128xf32, #tpu.memory_space<hbm>>
      tpu.enqueue_dma source(%arg8 : memref<128x128xf32, #tpu.memory_space<vmem>>) target(%dma_start3A_430 : memref<128x128xf32, #tpu.memory_space<hbm>>) target_semaphore(%arg22 : memref<!tpu.dma_semaphore, #tpu.memory_space<semaphore_mem>>)
    }
    %scan3A_75 = arith.constant 6 : i32
    %add3A_76 = arith.constant 5376 : i32
    %add3A_77 = arith.addi %mul3A_2, %add3A_76 : i32
    %dma_wait3A_78 = arith.constant 0 : i32
    %dma_wait3A_79 = tpu.memref_slice %arg4[%add3A_77, %dma_wait3A_78] : memref<204800x128xf32, #tpu.memory_space<hbm>> -> memref<128x128xf32, #tpu.memory_space<hbm>>
    %dma_wait3A_80 = arith.constant 0 : i32
    %dma_wait3A_81 = tpu.memref_slice %arg4[%add3A_77, %dma_wait3A_80] : memref<204800x128xf32, #tpu.memory_space<hbm>> -> memref<128x128xf32, #tpu.memory_space<hbm>>
    tpu.wait_dma2 semaphore(%arg20 : memref<!tpu.dma_semaphore, #tpu.memory_space<semaphore_mem>>) src(%arg6 : memref<128x128xf32, #tpu.memory_space<vmem>>) dst(%dma_wait3A_81 : memref<128x128xf32, #tpu.memory_space<hbm>>)
    %dma_start3A_82 = arith.constant 6272 : i32
    %dma_start3A_83 = tpu.memref_slice %arg5[%dma_start3A_82] : memref<6400xi32, #tpu.memory_space<vmem>> -> memref<128xi32, #tpu.memory_space<vmem>>
    %dma_start3A_84 = arith.constant 0 : i32
    %dma_start3A_85 = arith.constant 0 : i32
    %dma_start3A_86 = tpu.memref_slice %arg3[%dma_start3A_84, %dma_start3A_85] : memref<100000x128xf32, #tpu.memory_space<hbm>> -> memref<100000x128xf32, #tpu.memory_space<hbm>>
    tpu.enqueue_indirect_dma source(%dma_start3A_86 : memref<100000x128xf32, #tpu.memory_space<hbm>>) target(%arg6 : memref<128x128xf32, #tpu.memory_space<vmem>>) offsets(%dma_start3A_83 : memref<128xi32, #tpu.memory_space<vmem>>) semaphore(%arg13 : memref<!tpu.dma_semaphore, #tpu.memory_space<semaphore_mem>>)
    %dma_wait3A_87 = arith.constant 0 : i32
    %dma_wait3A_88 = arith.constant 0 : i32
    %dma_wait3A_89 = tpu.memref_slice %arg3[%dma_wait3A_87, %dma_wait3A_88] : memref<100000x128xf32, #tpu.memory_space<hbm>> -> memref<128x128xf32, #tpu.memory_space<hbm>>
    %dma_wait3A_90 = arith.constant 0 : i32
    %dma_wait3A_91 = arith.constant 0 : i32
    %dma_wait3A_92 = tpu.memref_slice %arg3[%dma_wait3A_90, %dma_wait3A_91] : memref<100000x128xf32, #tpu.memory_space<hbm>> -> memref<128x128xf32, #tpu.memory_space<hbm>>
    tpu.wait_dma2 semaphore(%arg16 : memref<!tpu.dma_semaphore, #tpu.memory_space<semaphore_mem>>) src(%dma_wait3A_92 : memref<128x128xf32, #tpu.memory_space<hbm>>) dst(%arg9 : memref<128x128xf32, #tpu.memory_space<vmem>>)
    %add3A_93 = arith.constant 5760 : i32
    %add3A_94 = arith.addi %mul3A_2, %add3A_93 : i32
    %dma_start3A_95 = arith.constant 0 : i32
    %dma_start3A_96 = tpu.memref_slice %arg4[%add3A_94, %dma_start3A_95] : memref<204800x128xf32, #tpu.memory_space<hbm>> -> memref<128x128xf32, #tpu.memory_space<hbm>>
    %dma_start3A_97 = arith.constant 0 : i32
    %dma_start3A_98 = tpu.memref_slice %arg4[%add3A_94, %dma_start3A_97] : memref<204800x128xf32, #tpu.memory_space<hbm>> -> memref<128x128xf32, #tpu.memory_space<hbm>>
    tpu.enqueue_dma source(%arg9 : memref<128x128xf32, #tpu.memory_space<vmem>>) target(%dma_start3A_98 : memref<128x128xf32, #tpu.memory_space<hbm>>) target_semaphore(%arg23 : memref<!tpu.dma_semaphore, #tpu.memory_space<semaphore_mem>>)
    %add3A_99 = arith.constant 5504 : i32
    %add3A_100 = arith.addi %mul3A_2, %add3A_99 : i32
    %dma_wait3A_101 = arith.constant 0 : i32
    %dma_wait3A_102 = tpu.memref_slice %arg4[%add3A_100, %dma_wait3A_101] : memref<204800x128xf32, #tpu.memory_space<hbm>> -> memref<128x128xf32, #tpu.memory_space<hbm>>
    %dma_wait3A_103 = arith.constant 0 : i32
    %dma_wait3A_104 = tpu.memref_slice %arg4[%add3A_100, %dma_wait3A_103] : memref<204800x128xf32, #tpu.memory_space<hbm>> -> memref<128x128xf32, #tpu.memory_space<hbm>>
    tpu.wait_dma2 semaphore(%arg21 : memref<!tpu.dma_semaphore, #tpu.memory_space<semaphore_mem>>) src(%arg7 : memref<128x128xf32, #tpu.memory_space<vmem>>) dst(%dma_wait3A_104 : memref<128x128xf32, #tpu.memory_space<hbm>>)
    %dma_wait3A_105 = arith.constant 0 : i32
    %dma_wait3A_106 = arith.constant 0 : i32
    %dma_wait3A_107 = tpu.memref_slice %arg3[%dma_wait3A_105, %dma_wait3A_106] : memref<100000x128xf32, #tpu.memory_space<hbm>> -> memref<128x128xf32, #tpu.memory_space<hbm>>
    %dma_wait3A_108 = arith.constant 0 : i32
    %dma_wait3A_109 = arith.constant 0 : i32
    %dma_wait3A_110 = tpu.memref_slice %arg3[%dma_wait3A_108, %dma_wait3A_109] : memref<100000x128xf32, #tpu.memory_space<hbm>> -> memref<128x128xf32, #tpu.memory_space<hbm>>
    tpu.wait_dma2 semaphore(%arg17 : memref<!tpu.dma_semaphore, #tpu.memory_space<semaphore_mem>>) src(%dma_wait3A_110 : memref<128x128xf32, #tpu.memory_space<hbm>>) dst(%arg10 : memref<128x128xf32, #tpu.memory_space<vmem>>)
    %add3A_111 = arith.constant 5888 : i32
    %add3A_112 = arith.addi %mul3A_2, %add3A_111 : i32
    %dma_start3A_113 = arith.constant 0 : i32
    %dma_start3A_114 = tpu.memref_slice %arg4[%add3A_112, %dma_start3A_113] : memref<204800x128xf32, #tpu.memory_space<hbm>> -> memref<128x128xf32, #tpu.memory_space<hbm>>
    %dma_start3A_115 = arith.constant 0 : i32
    %dma_start3A_116 = tpu.memref_slice %arg4[%add3A_112, %dma_start3A_115] : memref<204800x128xf32, #tpu.memory_space<hbm>> -> memref<128x128xf32, #tpu.memory_space<hbm>>
    tpu.enqueue_dma source(%arg10 : memref<128x128xf32, #tpu.memory_space<vmem>>) target(%dma_start3A_116 : memref<128x128xf32, #tpu.memory_space<hbm>>) target_semaphore(%arg24 : memref<!tpu.dma_semaphore, #tpu.memory_space<semaphore_mem>>)
    %add3A_117 = arith.constant 5632 : i32
    %add3A_118 = arith.addi %mul3A_2, %add3A_117 : i32
    %dma_wait3A_119 = arith.constant 0 : i32
    %dma_wait3A_120 = tpu.memref_slice %arg4[%add3A_118, %dma_wait3A_119] : memref<204800x128xf32, #tpu.memory_space<hbm>> -> memref<128x128xf32, #tpu.memory_space<hbm>>
    %dma_wait3A_121 = arith.constant 0 : i32
    %dma_wait3A_122 = tpu.memref_slice %arg4[%add3A_118, %dma_wait3A_121] : memref<204800x128xf32, #tpu.memory_space<hbm>> -> memref<128x128xf32, #tpu.memory_space<hbm>>
    tpu.wait_dma2 semaphore(%arg22 : memref<!tpu.dma_semaphore, #tpu.memory_space<semaphore_mem>>) src(%arg8 : memref<128x128xf32, #tpu.memory_space<vmem>>) dst(%dma_wait3A_122 : memref<128x128xf32, #tpu.memory_space<hbm>>)
    %dma_wait3A_123 = arith.constant 0 : i32
    %dma_wait3A_124 = arith.constant 0 : i32
    %dma_wait3A_125 = tpu.memref_slice %arg3[%dma_wait3A_123, %dma_wait3A_124] : memref<100000x128xf32, #tpu.memory_space<hbm>> -> memref<128x128xf32, #tpu.memory_space<hbm>>
    %dma_wait3A_126 = arith.constant 0 : i32
    %dma_wait3A_127 = arith.constant 0 : i32
    %dma_wait3A_128 = tpu.memref_slice %arg3[%dma_wait3A_126, %dma_wait3A_127] : memref<100000x128xf32, #tpu.memory_space<hbm>> -> memref<128x128xf32, #tpu.memory_space<hbm>>
    tpu.wait_dma2 semaphore(%arg18 : memref<!tpu.dma_semaphore, #tpu.memory_space<semaphore_mem>>) src(%dma_wait3A_128 : memref<128x128xf32, #tpu.memory_space<hbm>>) dst(%arg11 : memref<128x128xf32, #tpu.memory_space<vmem>>)
    %add3A_129 = arith.constant 6016 : i32
    %add3A_130 = arith.addi %mul3A_2, %add3A_129 : i32
    %dma_start3A_131 = arith.constant 0 : i32
    %dma_start3A_132 = tpu.memref_slice %arg4[%add3A_130, %dma_start3A_131] : memref<204800x128xf32, #tpu.memory_space<hbm>> -> memref<128x128xf32, #tpu.memory_space<hbm>>
    %dma_start3A_133 = arith.constant 0 : i32
    %dma_start3A_134 = tpu.memref_slice %arg4[%add3A_130, %dma_start3A_133] : memref<204800x128xf32, #tpu.memory_space<hbm>> -> memref<128x128xf32, #tpu.memory_space<hbm>>
    tpu.enqueue_dma source(%arg11 : memref<128x128xf32, #tpu.memory_space<vmem>>) target(%dma_start3A_134 : memref<128x128xf32, #tpu.memory_space<hbm>>) target_semaphore(%arg25 : memref<!tpu.dma_semaphore, #tpu.memory_space<semaphore_mem>>)
    %add3A_135 = arith.constant 5760 : i32
    %add3A_136 = arith.addi %mul3A_2, %add3A_135 : i32
    %dma_wait3A_137 = arith.constant 0 : i32
    %dma_wait3A_138 = tpu.memref_slice %arg4[%add3A_136, %dma_wait3A_137] : memref<204800x128xf32, #tpu.memory_space<hbm>> -> memref<128x128xf32, #tpu.memory_space<hbm>>
    %dma_wait3A_139 = arith.constant 0 : i32
    %dma_wait3A_140 = tpu.memref_slice %arg4[%add3A_136, %dma_wait3A_139] : memref<204800x128xf32, #tpu.memory_space<hbm>> -> memref<128x128xf32, #tpu.memory_space<hbm>>
    tpu.wait_dma2 semaphore(%arg23 : memref<!tpu.dma_semaphore, #tpu.memory_space<semaphore_mem>>) src(%arg9 : memref<128x128xf32, #tpu.memory_space<vmem>>) dst(%dma_wait3A_140 : memref<128x128xf32, #tpu.memory_space<hbm>>)
    %dma_wait3A_141 = arith.constant 0 : i32
    %dma_wait3A_142 = arith.constant 0 : i32
    %dma_wait3A_143 = tpu.memref_slice %arg3[%dma_wait3A_141, %dma_wait3A_142] : memref<100000x128xf32, #tpu.memory_space<hbm>> -> memref<128x128xf32, #tpu.memory_space<hbm>>
    %dma_wait3A_144 = arith.constant 0 : i32
    %dma_wait3A_145 = arith.constant 0 : i32
    %dma_wait3A_146 = tpu.memref_slice %arg3[%dma_wait3A_144, %dma_wait3A_145] : memref<100000x128xf32, #tpu.memory_space<hbm>> -> memref<128x128xf32, #tpu.memory_space<hbm>>
    tpu.wait_dma2 semaphore(%arg19 : memref<!tpu.dma_semaphore, #tpu.memory_space<semaphore_mem>>) src(%dma_wait3A_146 : memref<128x128xf32, #tpu.memory_space<hbm>>) dst(%arg12 : memref<128x128xf32, #tpu.memory_space<vmem>>)
    %add3A_147 = arith.constant 6144 : i32
    %add3A_148 = arith.addi %mul3A_2, %add3A_147 : i32
    %dma_start3A_149 = arith.constant 0 : i32
    %dma_start3A_150 = tpu.memref_slice %arg4[%add3A_148, %dma_start3A_149] : memref<204800x128xf32, #tpu.memory_space<hbm>> -> memref<128x128xf32, #tpu.memory_space<hbm>>
    %dma_start3A_151 = arith.constant 0 : i32
    %dma_start3A_152 = tpu.memref_slice %arg4[%add3A_148, %dma_start3A_151] : memref<204800x128xf32, #tpu.memory_space<hbm>> -> memref<128x128xf32, #tpu.memory_space<hbm>>
    tpu.enqueue_dma source(%arg12 : memref<128x128xf32, #tpu.memory_space<vmem>>) target(%dma_start3A_152 : memref<128x128xf32, #tpu.memory_space<hbm>>) target_semaphore(%arg26 : memref<!tpu.dma_semaphore, #tpu.memory_space<semaphore_mem>>)
    %add3A_153 = arith.constant 5888 : i32
    %add3A_154 = arith.addi %mul3A_2, %add3A_153 : i32
    %dma_wait3A_155 = arith.constant 0 : i32
    %dma_wait3A_156 = tpu.memref_slice %arg4[%add3A_154, %dma_wait3A_155] : memref<204800x128xf32, #tpu.memory_space<hbm>> -> memref<128x128xf32, #tpu.memory_space<hbm>>
    %dma_wait3A_157 = arith.constant 0 : i32
    %dma_wait3A_158 = tpu.memref_slice %arg4[%add3A_154, %dma_wait3A_157] : memref<204800x128xf32, #tpu.memory_space<hbm>> -> memref<128x128xf32, #tpu.memory_space<hbm>>
    tpu.wait_dma2 semaphore(%arg24 : memref<!tpu.dma_semaphore, #tpu.memory_space<semaphore_mem>>) src(%arg10 : memref<128x128xf32, #tpu.memory_space<vmem>>) dst(%dma_wait3A_158 : memref<128x128xf32, #tpu.memory_space<hbm>>)
    %dma_wait3A_159 = arith.constant 0 : i32
    %dma_wait3A_160 = arith.constant 0 : i32
    %dma_wait3A_161 = tpu.memref_slice %arg3[%dma_wait3A_159, %dma_wait3A_160] : memref<100000x128xf32, #tpu.memory_space<hbm>> -> memref<128x128xf32, #tpu.memory_space<hbm>>
    %dma_wait3A_162 = arith.constant 0 : i32
    %dma_wait3A_163 = arith.constant 0 : i32
    %dma_wait3A_164 = tpu.memref_slice %arg3[%dma_wait3A_162, %dma_wait3A_163] : memref<100000x128xf32, #tpu.memory_space<hbm>> -> memref<128x128xf32, #tpu.memory_space<hbm>>
    tpu.wait_dma2 semaphore(%arg13 : memref<!tpu.dma_semaphore, #tpu.memory_space<semaphore_mem>>) src(%dma_wait3A_164 : memref<128x128xf32, #tpu.memory_space<hbm>>) dst(%arg6 : memref<128x128xf32, #tpu.memory_space<vmem>>)
    %add3A_165 = arith.constant 6272 : i32
    %add3A_166 = arith.addi %mul3A_2, %add3A_165 : i32
    %dma_start3A_167 = arith.constant 0 : i32
    %dma_start3A_168 = tpu.memref_slice %arg4[%add3A_166, %dma_start3A_167] : memref<204800x128xf32, #tpu.memory_space<hbm>> -> memref<128x128xf32, #tpu.memory_space<hbm>>
    %dma_start3A_169 = arith.constant 0 : i32
    %dma_start3A_170 = tpu.memref_slice %arg4[%add3A_166, %dma_start3A_169] : memref<204800x128xf32, #tpu.memory_space<hbm>> -> memref<128x128xf32, #tpu.memory_space<hbm>>
    tpu.enqueue_dma source(%arg6 : memref<128x128xf32, #tpu.memory_space<vmem>>) target(%dma_start3A_170 : memref<128x128xf32, #tpu.memory_space<hbm>>) target_semaphore(%arg20 : memref<!tpu.dma_semaphore, #tpu.memory_space<semaphore_mem>>)
    %add3A_171 = arith.constant 6016 : i32
    %add3A_172 = arith.addi %mul3A_2, %add3A_171 : i32
    %dma_wait3A_173 = arith.constant 0 : i32
    %dma_wait3A_174 = tpu.memref_slice %arg4[%add3A_172, %dma_wait3A_173] : memref<204800x128xf32, #tpu.memory_space<hbm>> -> memref<128x128xf32, #tpu.memory_space<hbm>>
    %dma_wait3A_175 = arith.constant 0 : i32
    %dma_wait3A_176 = tpu.memref_slice %arg4[%add3A_172, %dma_wait3A_175] : memref<204800x128xf32, #tpu.memory_space<hbm>> -> memref<128x128xf32, #tpu.memory_space<hbm>>
    tpu.wait_dma2 semaphore(%arg25 : memref<!tpu.dma_semaphore, #tpu.memory_space<semaphore_mem>>) src(%arg11 : memref<128x128xf32, #tpu.memory_space<vmem>>) dst(%dma_wait3A_176 : memref<128x128xf32, #tpu.memory_space<hbm>>)
    %add3A_177 = arith.constant 6144 : i32
    %add3A_178 = arith.addi %mul3A_2, %add3A_177 : i32
    %dma_wait3A_179 = arith.constant 0 : i32
    %dma_wait3A_180 = tpu.memref_slice %arg4[%add3A_178, %dma_wait3A_179] : memref<204800x128xf32, #tpu.memory_space<hbm>> -> memref<128x128xf32, #tpu.memory_space<hbm>>
    %dma_wait3A_181 = arith.constant 0 : i32
    %dma_wait3A_182 = tpu.memref_slice %arg4[%add3A_178, %dma_wait3A_181] : memref<204800x128xf32, #tpu.memory_space<hbm>> -> memref<128x128xf32, #tpu.memory_space<hbm>>
    tpu.wait_dma2 semaphore(%arg26 : memref<!tpu.dma_semaphore, #tpu.memory_space<semaphore_mem>>) src(%arg12 : memref<128x128xf32, #tpu.memory_space<vmem>>) dst(%dma_wait3A_182 : memref<128x128xf32, #tpu.memory_space<hbm>>)
    %add3A_183 = arith.constant 6272 : i32
    %add3A_184 = arith.addi %mul3A_2, %add3A_183 : i32
    %dma_wait3A_185 = arith.constant 0 : i32
    %dma_wait3A_186 = tpu.memref_slice %arg4[%add3A_184, %dma_wait3A_185] : memref<204800x128xf32, #tpu.memory_space<hbm>> -> memref<128x128xf32, #tpu.memory_space<hbm>>
    %dma_wait3A_187 = arith.constant 0 : i32
    %dma_wait3A_188 = tpu.memref_slice %arg4[%add3A_184, %dma_wait3A_187] : memref<204800x128xf32, #tpu.memory_space<hbm>> -> memref<128x128xf32, #tpu.memory_space<hbm>>
    tpu.wait_dma2 semaphore(%arg20 : memref<!tpu.dma_semaphore, #tpu.memory_space<semaphore_mem>>) src(%arg6 : memref<128x128xf32, #tpu.memory_space<vmem>>) dst(%dma_wait3A_188 : memref<128x128xf32, #tpu.memory_space<hbm>>)
    return
  }
}

</mosaic_0001>

<sc_bundles>
// kernel: _embed.3.cloned.1.call-start
scs
__scs_entry_jumppad:
0x0: {  	(pc) =	sbr.rel $0x88, $3  }
0x1: {  	(tag) =	ssettag $0x0;
	lr =	simm.s32 $0x1  }
0x2: {  	[smem:$0x3F9F] =	sst lr;
	_ =	strace $0xD0000000  }
0x3: {  	_ = 	snop  }
0x4: {  	_ = 	snop  }
0x5: {  	_ = 	snop  }
0x6: {  	_ = 	snop  }
0x7: {  	_ = 	snop  }
__scs_overlays_trampoline_lowered:
0x8: {  	[smem:$0x3FAE] =	sst s0  }
0x9: {  	[smem:$0x3FAF] =	sst s1  }
0xa: {  	[smem:$0x3FB0] =	sst s2  }
0xb: {  	[smem:$0x3FB1] =	sst s3  }
0xc: {  	[smem:$0x3FB2] =	sst s4  }
0xd: {  	[smem:$0x3FB3] =	sst s5  }
0xe: {  	[smem:$0x3FB4] =	sst s6  }
0xf: {  	[smem:$0x3FB5] =	sst s7  }
0x10: {  	[smem:$0x3FB6] =	sst s8  }
0x11: {  	[smem:$0x3FB7] =	sst s9;
	s0 =	simm.s32 @!p0 $0x0  }
0x12: {  	s1 =	sld [smem:$0x3F9D];
	s0 =	simm.s32 @p0 $0x1  }
0x13: {  	[smem:$0x3FB8] =	sst s0;
	s0 =	simm.s32 @!p1 $0x0  }
0x14: {  	s2 =	sld [smem:$0x3F9C];
	s0 =	simm.s32 @p1 $0x1  }
0x15: {  	[smem:$0x3FB9] =	sst s0;
	s0 =	simm.s32 @!p2 $0x0  }
0x16: {  	s3 =	sld [smem:$0x3FDB];
	s0 =	simm.s32 @p2 $0x1  }
0x17: {  	s4 =	simm.s32 $0x1BF5;
	[smem:$0x3FBB] =	sst s0  }
0x18: {  	s0 =	sld [smem:$0x3F9E];
	_ =	swait.ge [sflag:s4], $0x0  }
0x19: {  	s7 =	sld [smem:$0x3F9F]  }
0x1a: {  	s8 =	sadd.s32 $0xFFFFE003, lr  }
0x1b: {  	s9 =	sadd.s32 $0xFFFFFEF7, lr;
	s5 =	simm.s32 $0xFFFFFFFF;
	p2 =	slt.u32 s8, $0xFFFFF086  }
0x1c: {  	p1 =	slt.u32 s9, $0xF7A;
	s5 =	simm.s32 @!p2 $0x0  }
0x1d: {  	s5 =	simm.s32 @p1 $0x1;
	p0 =	seq.s32 s7, s2  }
0x1e: {  	s7 =	smul.u32 @!p0 $0xF7A, s2;
	p2 =	seq.s32 @!p0 s5, $0x0  }
0x1f: {  	s9 =	smul.u32 $0xF7A, s1;
	s8 =	simm.s32 @!p0 $0x1BF5;
	p2 =	por !p2, p0  }
0x20: {  	[sflag:s8] =	ssyncset.s32 @!p0 $0xFFFFF086;
	s6 =	sadd.s32 @!p0 s3, s7;
	s7 =	simm.s32 @!p0 $0x108  }
0x21: {  	s3 =	sadd.s32 s3, s9;
	s6 =	sadd.s32 @!p0 $0x88, s6;
	s7 =	simm.s32 @p2 $0x1082  }
0x22: {  	[simem:s7], [sflag:s8] =	dma.local @!p0 [hbm:s6], $0xF7A  }
0x23: {  	s9 =	sor.u32 $0xD0000000, s2;
	s6 =	simm.s32 $0x108;
	_ =	swait.ge @!p0 [sflag:s8], $0x0  }
0x24: {  	s3 =	sadd.s32 $0x88, s3;
	s6 =	simm.s32 @!p1 $0x1082;
	[sflag:s4] =	ssyncset.s32 $0xFFFFF086  }
0x25: {  	[simem:s6], [sflag:s4] =	dma.local [hbm:s3], $0xF7A  }
0x26: {  	[smem:$0x3F9F] =	sst s1;
	(tag) =	ssettag s2;
	_ =	strace s9  }
0x27: {  	s1 =	sld [smem:$0x3FAF]  }
0x28: {  	s2 =	sld [smem:$0x3FB0]  }
0x29: {  	s4 =	sld [smem:$0x3FB2]  }
0x2a: {  	p0 =	seq.s32 s5, $0x0;
	s5 =	sld [smem:$0x3FB3]  }
0x2b: {  	s6 =	sld [smem:$0x3FB4]  }
0x2c: {  	s7 =	sld [smem:$0x3FB5]  }
0x2d: {  	s3 =	simm.s32 $0x108;
	s8 =	sld [smem:$0x3FB6]  }
0x2e: {  	s3 =	simm.s32 @!p0 $0x1082;
	s9 =	sld [smem:$0x3FB7]  }
0x2f: {  	lr =	sadd.s32 s0, s3;
	s0 =	sld [smem:$0x3FAE]  }
0x30: {  	s3 =	sld [smem:$0x3FB1]  }
0x31: {  	[smem:$0x3FBA] =	sst s10  }
0x32: {  	s10 =	sld [smem:$0x3FB8];
	_ =	sdelay $0x3  }
0x33: {  	p0 =	seq.s32 s10, $0x1;
	s10 =	sld [smem:$0x3FBA];
	_ =	sdelay $0x3  }
0x34: {  	[smem:$0x3FBA] =	sst s10  }
0x35: {  	s10 =	sld [smem:$0x3FB9];
	_ =	sdelay $0x3  }
0x36: {  	p1 =	seq.s32 s10, $0x1;
	s10 =	sld [smem:$0x3FBA];
	_ =	sdelay $0x3  }
0x37: {  	[smem:$0x3FBA] =	sst s10  }
0x38: {  	s10 =	sld [smem:$0x3FBB]  }
0x39: {  	_ = 	snop;
	(pc) =	sbr.ind lr, $3  }
0x3a: {  	_ = 	snop  }
0x3b: {  	_ = 	snop  }
0x3c: {  	p2 =	seq.s32 s10, $0x1;
	s10 =	sld [smem:$0x3FBA]  }
0x3d: {  	_ =	shalt  }
0x3e: {  	_ =	shalt  }
0x3f: {  	_ =	shalt  }
0x40: {  	_ =	shalt  }
0x41: {  	_ =	shalt  }
0x42: {  	_ =	shalt  }
0x43: {  	_ =	shalt  }
0x44: {  	_ =	shalt  }
0x45: {  	_ =	shalt  }
0x46: {  	_ =	shalt  }
0x47: {  	_ =	shalt  }
0x48: {  	_ =	shalt  }
0x49: {  	_ =	shalt  }
0x4a: {  	_ =	shalt  }
0x4b: {  	_ =	shalt  }
0x4c: {  	_ =	shalt  }
0x4d: {  	_ =	shalt  }
0x4e: {  	_ =	shalt  }
0x4f: {  	_ =	shalt  }
0x50: {  	_ =	shalt  }
0x51: {  	_ =	shalt  }
0x52: {  	_ =	shalt  }
0x53: {  	_ =	shalt  }
0x54: {  	_ =	shalt  }
0x55: {  	_ =	shalt  }
0x56: {  	_ =	shalt  }
0x57: {  	_ =	shalt  }
0x58: {  	_ =	shalt  }
0x59: {  	_ =	shalt  }
0x5a: {  	_ =	shalt  }
0x5b: {  	_ =	shalt  }
0x5c: {  	_ =	shalt  }
0x5d: {  	_ =	shalt  }
0x5e: {  	_ =	shalt  }
0x5f: {  	_ =	shalt  }
0x60: {  	_ =	shalt  }
0x61: {  	_ =	shalt  }
0x62: {  	_ =	shalt  }
0x63: {  	_ =	shalt  }
0x64: {  	_ =	shalt  }
0x65: {  	_ =	shalt  }
0x66: {  	_ =	shalt  }
0x67: {  	_ =	shalt  }
0x68: {  	_ =	shalt  }
0x69: {  	_ =	shalt  }
0x6a: {  	_ =	shalt  }
0x6b: {  	_ =	shalt  }
0x6c: {  	_ =	shalt  }
0x6d: {  	_ =	shalt  }
0x6e: {  	_ =	shalt  }
0x6f: {  	_ =	shalt  }
0x70: {  	_ =	shalt  }
0x71: {  	_ =	shalt  }
0x72: {  	_ =	shalt  }
0x73: {  	_ =	shalt  }
0x74: {  	_ =	shalt  }
0x75: {  	_ =	shalt  }
0x76: {  	_ =	shalt  }
0x77: {  	_ =	shalt  }
0x78: {  	_ =	shalt  }
0x79: {  	_ =	shalt  }
0x7a: {  	_ =	shalt  }
0x7b: {  	_ =	shalt  }
0x7c: {  	_ =	shalt  }
0x7d: {  	_ =	shalt  }
0x7e: {  	_ =	shalt  }
0x7f: {  	_ =	shalt  }
0x80: {  	_ =	shalt  }
0x81: {  	_ =	shalt  }
0x82: {  	_ =	shalt  }
0x83: {  	_ =	shalt  }
0x84: {  	_ =	shalt  }
0x85: {  	_ =	shalt  }
0x86: {  	_ =	shalt  }
0x87: {  	_ =	shalt  }
.Lfunc_end0:
.L_simem_size_0:
called_computation_lowered:
.L_overlay_start_0:
0x88: {  	s2 =	sld [smem:$0x3FD9]  }
0x89: {  	s3 =	sld [smem:$0x3FFE];
	_ =	sdelay $0x1  }
0x8a: {  	s1 =	srdreg.scid  }
0x8b: {  	s0 =	sand.u32 $0x1, s1  }
0x8c: {  	s18 =	sshll.u32 s0, $0xA;
	s2 =	sadd.s32 s3, s2  }
0x8d: {  	s2 =	sadd.s32 s2, s18  }
0x8e: {  	[smem:$0x3FC6] =	sst s2  }
0x8f: {  	_ = 	snop  }
0x90: {  	s2 =	sld [smem:$0x3FC9]  }
0x91: {  	s19 =	sld [smem:$0x3FC8]  }
0x92: {  	s4 =	sld [smem:$0x3FD0];
	(tm) =	ssettm $0x1  }
0x93: {  	s5 =	sld [smem:$0x3FFB];
	_ =	sdelay $0x3  }
0x94: {  	_ =	strace s5  }
0x95: {  	s5 =	sld [smem:$0x3FFC];
	_ =	sdelay $0x3  }
0x96: {  	_ =	strace s5  }
0x97: {  	s5 =	sld [smem:$0x3FFD];
	_ =	sdelay $0x3  }
0x98: {  	_ =	strace s5  }
0x99: {  	_ =	strace $0x8FFFFFFF  }
0x9a: {  	s20 =	sld [smem:$0x3FDB];
	_ =	sdelay $0x1  }
0x9b: {  	s6 =	simm.s32 $_scs_section_size  }
0x9c: {  	s7 =	simm.s32 $_size__tile_overlayer_lowered;
	s8 =	simm.s32 $_tile_overlayer_lowered  }
0x9d: {  	s23 =	simm.s32 $0x1BFF;
	s22 =	sshll.u32 s8, $0x1;
	s5 =	sadd.s32 s6, s20  }
0x9e: {  	s9 =	simm.s32 $0x0;
	s21 =	sshll.u32 s7, $0x1;
	s7 =	sadd.s32 s22, s5  }
0x9f: {  	[timem:s9], [sflag:s23] =	dma.local [hbm:s7], s21  }
0xa0: {  	_ =	swait.ge [sflag:s23], s21  }
0xa1: {  	s6 =	ssub.s32 $0x0, s21;
	[sflag:s23] =	ssyncset.done $0x0  }
0xa2: {  	[sflag:s23] =	ssyncadd.s32 s6;
	_ =	sdelay $0x1  }
0xa3: {  	s24 =	simm.s32 $0x1B8B  }
0xa4: {  	_ =	swait.ge [sflag:s24], $0x1  }
0xa5: {  	[sflag:s24] =	ssyncset.done $0x0  }
0xa6: {  	s25 =	simm.s32 $0x1B8E;
	[sflag:s24] =	ssyncadd.s32 $0xFFFFFFFF  }
0xa7: {  	s26 =	simm.s32 $execute0_lowered;
	[smem:$0x3FD2] =	sst s25  }
0xa8: {  	s6 =	sshll.u32 s26, $0x1;
	_ =	strace $0x80000046;
	[dreg:$0x1] =	wrdreg $0xFFFFFFFF  }
0xa9: {  	s28 =	simm.s32 $_size_execute0_lowered;
	s5 =	sadd.s32 s5, s6;
	[dreg:$0x0] =	wrdreg $0x0  }
0xaa: {  	s6 =	sshll.u32 s28, $0x1;
	[dreg:$0x2] =	wrdreg s5  }
0xab: {  	[dreg:$0x3] =	wrdreg s6  }
0xac: {  	[dreg:$0x4] =	wrdreg $0xC0  }
0xad: {  	_ =	task [dreg:s9], $0x5FFFF  }
0xae: {  	[dreg:$0x1] =	wrdreg $0xFFFFFFFF  }
0xaf: {  	[dreg:$0x0] =	wrdreg $0x60  }
0xb0: {  	[dreg:$0x2] =	wrdreg s2  }
0xb1: {  	[dreg:$0x3] =	wrdreg s19  }
0xb2: {  	[dreg:$0x4] =	wrdreg s4  }
0xb3: {  	[dreg:$0x5] =	wrdreg $0x9  }
0xb4: {  	_ =	task.clear_ibuf [dreg:s9], $0x6FFFF;
	_ =	strace $0x90000046  }
0xb5: {  	s29 =	simm.s32 $0x9;
	_ =	strace $0x80000048  }
0xb6: {  	_ =	swait.ge [sflag:s29], $0x1  }
0xb7: {  	[sflag:s29] =	ssyncadd.s32 $0xFFFFFFFF  }
0xb8: {  	_ =	strace $0x90000048  }
0xb9: {  	_ =	sfence  }
0xba: {  	s30 =	sld [smem:$0x0];
	_ =	sdelay $0x2  }
0xbb: {  	s31 =	sshll.u32 s1, $0xD;
	s1 =	sshrl.u32 s1, $0x2  }
0xbc: {  	s3 =	sand.u32 $0x4000, s31;
	s1 =	sadd.s32 s1, s30  }
0xbd: {  	s0 =	sor.u32 s3, s0;
	s1 =	sshll.u32 s1, $0x11  }
0xbe: {  	s0 =	sor.u32 s1, s0  }
0xbf: {  	s0 =	sadd.s32 $0x8F2B, s0  }
0xc0: {  	[sflag:s0] =	ssyncadd.remote.s32 $0x1  }
0xc1: {  	_ =	sfence.sel $0xFFFF  }
0xc2: {  	[dreg:$0x0] =	wrdreg $0xFFFFFFFF;
	(pc) =	sbr.abs _section_cstart, $3  }
0xc3: {  	[dreg:$0x1] =	wrdreg $0xFFFFFFFF  }
0xc4: {  	_ =	task.clear_ibuf [dreg:s9], $0x2FFFF;
	_ =	strace $0x9FFFFFFF  }
0xc5: {  	(tm) =	ssettm $0x7FFFFFFF  }
tec
execute0_lowered:
.L_overlay_start_1:
0x0: {  	(tag) =	ssettag $0x1  }
0x1: {  	s0 =	rddreg [dreg:$0x0];
	s1 =	srdreg.scid  }
0x2: {  	s8 =	stileid.u32;
	s2 =	rddreg [dreg:$0x1]  }
0x3: {  	s3 =	rddreg [dreg:$0x2];
	s29 =	simm.s32 $0x19900;
	s30 =	simm.s32 $0x1  }
0x4: {  	s1 =	sand.u32 $0x1, s1;
	s4 =	sshll.u32 s8, $0x1;
	s8 =	smul.u32 $0x3200, s8  }
0x5: {  	s5 =	sor.u32 s1, s4;
	s7 =	ssub.s32 $0x2, s1;
	s1 =	smul.u32 $0x1900, s1  }
0x6: {  	s31 =	simm.s32 $0x2;
	s4 =	simm.s32 $0x0;
	s6 =	smul.u32 $0x1900, s5  }
0x7: {  	s28 =	simm.s32 $0x6;
	[smem:$0x7FF] =	sst s4;
	s10 =	smul.u32 $0x19000, s5  }
0x8: {  	s9 =	sshrl.u32 s7, $0x1;
	s5 =	smul.u32 $0xC8000, s5;
	_ =	strace $0x80000047  }
0x9: {  	s7 =	ssub.s32 s7, s9;
	s1 =	sadd.s32 s1, s8;
	s11 =	sadd.s32 s3, s10  }
0xa: {  	s6 =	sshrl.u32 s6, $0x3;
	s26 =	smax.u32 s7, $0x1;
	[dreg:$0xc] =	wrdreg s11  }
0xb: {  	s8 =	simm.s32 $0xC;
	s0 =	sadd.s32 s0, s6;
	[dreg:$0x14] =	wrdreg s26  }
0xc: {  	s12 =	sshll.u32 s1, $0x4;
	s13 =	sadd.s32 $0x800, s11;
	[dreg:$0xb] =	wrdreg s0  }
0xd: {  	s9 =	simm.s32 $0xD;
	s15 =	sadd.s32 $0x3000, s12;
	[dreg:$0xd] =	wrdreg s13  }
0xe: {  	s14 =	sshrl.u32 s5, $0x3;
	s16 =	sadd.s32 $0x2800, s12;
	[dreg:$0x4] =	wrdreg s15  }
0xf: {  	s5 =	simm.s32 $0xB;
	s18 =	sadd.s32 $0x2000, s12;
	[dreg:$0x5] =	wrdreg s16  }
0x10: {  	s7 =	simm.s32 $0x7;
	s20 =	sadd.s32 $0x1800, s12;
	[dreg:$0x6] =	wrdreg s18  }
0x11: {  	s10 =	simm.s32 $0x0;
	s22 =	sadd.s32 $0x4800, s12;
	[dreg:$0x7] =	wrdreg s20  }
0x12: {  	s1 =	sadd.s32 s3, s14;
	s24 =	sadd.s32 $0x4000, s12;
	[dreg:$0x8] =	wrdreg s22  }
0x13: {  	s26 =	simm.s32 $0x15900;
	s17 =	sadd.s32 $0x1000, s1;
	[dreg:$0x9] =	wrdreg s24  }
0x14: {  	s6 =	simm.s32 $0xE;
	s19 =	sadd.s32 $0x16800, s1;
	[dreg:$0xe] =	wrdreg s17  }
0x15: {  	s21 =	sadd.s32 $0x17000, s1;
	s23 =	sadd.s32 $0x17800, s1;
	[dreg:$0xf] =	wrdreg s19  }
0x16: {  	s25 =	sadd.s32 $0x18000, s1;
	s0 =	sadd.s32 $0x3800, s12;
	[dreg:$0x10] =	wrdreg s21  }
0x17: {  	s1 =	sadd.s32 $0x18800, s1;
	s15 =	simm.s32 $0xF;
	[dreg:$0x11] =	wrdreg s23  }
0x18: {  	s16 =	simm.s32 $0x80;
	s18 =	simm.s32 $0x5900;
	[dreg:$0x12] =	wrdreg s25  }
0x19: {  	s20 =	simm.s32 $0x9900;
	s22 =	simm.s32 $0xD900;
	[dreg:$0x13] =	wrdreg s1  }
0x1a: {  	s24 =	simm.s32 $0x11900;
	[dreg:$0xa] =	wrdreg s0;
	s17 =	simm.s32 $0x1900  }
0x1b: {  	s1 =	simm.s32 $0x3;
	s0 =	simm.s32 $0x8;
	s19 =	simm.s32 $0x4  }
0x1c: {  	s21 =	simm.s32 $0x9;
	s23 =	simm.s32 $0x5;
	s25 =	simm.s32 $0xA  }
.LBB2_1:
0x1d: {  	s11 =	rddreg [dreg:$0xb]  }
0x1e: {  	[tilespmem:s4], [sflag:$0xF] =	stream.linear.gather [hbm4b:s11+s4], $0x1900, $0x38;
	[tilespmem:$0x1D900] =	vst v63  }
0x1f: {  	_ =	swait.ge [sflag:s15], $0x1900  }
0x20: {  	[sflag:s15] =	ssyncset.done $0x0  }
0x21: {  	[sflag:s15] =	ssyncadd.s32 $0xFFFFE700  }
0x22: {  	[tilespmem:s17], [sflag:$0x1] =	stream.indirect.gather [hbm4b:s2+s16], $0x80, s4, s16, $0xb8;
	[tilespmem:$0x1D900] =	vst v63  }
0x23: {  	_ = 	snop  }
0x24: {  	[tilespmem:s18], [sflag:$0x2] =	stream.indirect.gather [hbm4b:s2+s16], $0x80, s16, s16, $0xb8;
	[tilespmem:$0x1D900] =	vst v63  }
0x25: {  	s12 =	simm.s32 $0x100  }
0x26: {  	[tilespmem:s20], [sflag:$0x3] =	stream.indirect.gather [hbm4b:s2+s16], $0x80, s12, s16, $0xb8;
	[tilespmem:$0x1D900] =	vst v63  }
0x27: {  	s13 =	simm.s32 $0x180  }
0x28: {  	[tilespmem:s22], [sflag:$0x4] =	stream.indirect.gather [hbm4b:s2+s16], $0x80, s13, s16, $0xb8;
	[tilespmem:$0x1D900] =	vst v63  }
0x29: {  	s14 =	simm.s32 $0x200  }
0x2a: {  	[tilespmem:s24], [sflag:$0x5] =	stream.indirect.gather [hbm4b:s2+s16], $0x80, s14, s16, $0xb8;
	[tilespmem:$0x1D900] =	vst v63  }
0x2b: {  	s12 =	simm.s32 $0x280  }
0x2c: {  	[tilespmem:s26], [sflag:$0x6] =	stream.indirect.gather [hbm4b:s2+s16], $0x80, s12, s16, $0xb8;
	[tilespmem:$0x1D900] =	vst v63  }
0x2d: {  	s13 =	simm.s32 $0x300  }
0x2e: {  	[tilespmem:s29], [sflag:$0x7] =	stream.indirect.gather [hbm4b:s2+s16], $0x80, s13, s16, $0xb8;
	[tilespmem:$0x1D900] =	vst v63  }
0x2f: {  	_ =	swait.ge [sflag:s30], $0x4000  }
0x30: {  	[sflag:s30] =	ssyncset.done $0x0  }
0x31: {  	s14 =	rddreg [dreg:$0xc];
	[sflag:s30] =	ssyncadd.s32 $0xFFFFC000  }
0x32: {  	[hbm4b:s14+s4] =	stream.linear.scatter [tilespmem:s17], [sflag:$0x8], $0x4000, $0x38;
	[tilespmem:$0x1D900] =	vst v63  }
0x33: {  	_ =	swait.ge [sflag:s31], $0x4000  }
0x34: {  	[sflag:s31] =	ssyncset.done $0x0  }
0x35: {  	s12 =	rddreg [dreg:$0xd];
	[sflag:s31] =	ssyncadd.s32 $0xFFFFC000  }
0x36: {  	[hbm4b:s12+s4] =	stream.linear.scatter [tilespmem:s18], [sflag:$0x9], $0x4000, $0x38;
	[tilespmem:$0x1D900] =	vst v63  }
0x37: {  	_ =	swait.ge [sflag:s1], $0x4000  }
0x38: {  	[sflag:s1] =	ssyncset.done $0x0  }
0x39: {  	s13 =	rddreg [dreg:$0xe];
	[sflag:s1] =	ssyncadd.s32 $0xFFFFC000  }
0x3a: {  	[hbm4b:s13+s4] =	stream.linear.scatter [tilespmem:s20], [sflag:$0xA], $0x4000, $0x38;
	[tilespmem:$0x1D900] =	vst v63  }
0x3b: {  	_ =	swait.ge [sflag:s0], $0x4000  }
0x3c: {  	[sflag:s0] =	ssyncset.done $0x0  }
0x3d: {  	s14 =	simm.s32 $0x380;
	[sflag:s0] =	ssyncadd.s32 $0xFFFFC000  }
0x3e: {  	[tilespmem:s17], [sflag:$0x1] =	stream.indirect.gather [hbm4b:s2+s16], $0x80, s14, s16, $0xb8;
	[tilespmem:$0x1D900] =	vst v63  }
0x3f: {  	_ =	swait.ge [sflag:s19], $0x4000  }
0x40: {  	s12 =	rddreg [dreg:$0x7];
	[sflag:s19] =	ssyncset.done $0x0  }
0x41: {  	[sflag:s19] =	ssyncadd.s32 $0xFFFFC000;
	s11 =	sadd.s32 s3, s12  }
0x42: {  	[hbm4b:s11+s4] =	stream.linear.scatter [tilespmem:s22], [sflag:$0xB], $0x4000, $0x38;
	[tilespmem:$0x1D900] =	vst v63  }
0x43: {  	_ =	swait.ge [sflag:s21], $0x4000  }
0x44: {  	[sflag:s21] =	ssyncset.done $0x0  }
0x45: {  	s13 =	simm.s32 $0x400;
	[sflag:s21] =	ssyncadd.s32 $0xFFFFC000  }
0x46: {  	[tilespmem:s18], [sflag:$0x2] =	stream.indirect.gather [hbm4b:s2+s16], $0x80, s13, s16, $0xb8;
	[tilespmem:$0x1D900] =	vst v63  }
0x47: {  	_ =	swait.ge [sflag:s23], $0x4000  }
0x48: {  	s14 =	rddreg [dreg:$0x6];
	[sflag:s23] =	ssyncset.done $0x0  }
0x49: {  	[sflag:s23] =	ssyncadd.s32 $0xFFFFC000;
	s11 =	sadd.s32 s3, s14  }
0x4a: {  	[hbm4b:s11+s4] =	stream.linear.scatter [tilespmem:s24], [sflag:$0xC], $0x4000, $0x38;
	[tilespmem:$0x1D900] =	vst v63  }
0x4b: {  	_ =	swait.ge [sflag:s25], $0x4000  }
0x4c: {  	[sflag:s25] =	ssyncset.done $0x0  }
0x4d: {  	s12 =	simm.s32 $0x480;
	[sflag:s25] =	ssyncadd.s32 $0xFFFFC000  }
0x4e: {  	[tilespmem:s20], [sflag:$0x3] =	stream.indirect.gather [hbm4b:s2+s16], $0x80, s12, s16, $0xb8;
	[tilespmem:$0x1D900] =	vst v63  }
0x4f: {  	_ =	swait.ge [sflag:s28], $0x4000  }
0x50: {  	s13 =	rddreg [dreg:$0x5];
	[sflag:s28] =	ssyncset.done $0x0  }
0x51: {  	[sflag:s28] =	ssyncadd.s32 $0xFFFFC000;
	s11 =	sadd.s32 s3, s13  }
0x52: {  	[hbm4b:s11+s4] =	stream.linear.scatter [tilespmem:s26], [sflag:$0xD], $0x4000, $0x38;
	[tilespmem:$0x1D900] =	vst v63  }
0x53: {  	_ =	swait.ge [sflag:s5], $0x4000  }
0x54: {  	[sflag:s5] =	ssyncset.done $0x0  }
0x55: {  	s14 =	simm.s32 $0x500;
	[sflag:s5] =	ssyncadd.s32 $0xFFFFC000  }
0x56: {  	[tilespmem:s22], [sflag:$0x4] =	stream.indirect.gather [hbm4b:s2+s16], $0x80, s14, s16, $0xb8;
	[tilespmem:$0x1D900] =	vst v63  }
0x57: {  	_ =	swait.ge [sflag:s7], $0x4000  }
0x58: {  	s12 =	rddreg [dreg:$0x4];
	[sflag:s7] =	ssyncset.done $0x0  }
0x59: {  	[sflag:s7] =	ssyncadd.s32 $0xFFFFC000;
	s11 =	sadd.s32 s3, s12  }
0x5a: {  	[hbm4b:s11+s4] =	stream.linear.scatter [tilespmem:s29], [sflag:$0xE], $0x4000, $0x38;
	[tilespmem:$0x1D900] =	vst v63  }
0x5b: {  	_ =	swait.ge [sflag:s8], $0x4000  }
0x5c: {  	[sflag:s8] =	ssyncset.done $0x0  }
0x5d: {  	s13 =	simm.s32 $0x580;
	[sflag:s8] =	ssyncadd.s32 $0xFFFFC000  }
0x5e: {  	[tilespmem:s24], [sflag:$0x5] =	stream.indirect.gather [hbm4b:s2+s16], $0x80, s13, s16, $0xb8;
	[tilespmem:$0x1D900] =	vst v63  }
0x5f: {  	_ =	swait.ge [sflag:s30], $0x4000  }
0x60: {  	s14 =	rddreg [dreg:$0xa];
	[sflag:s30] =	ssyncset.done $0x0  }
0x61: {  	[sflag:s30] =	ssyncadd.s32 $0xFFFFC000;
	s11 =	sadd.s32 s3, s14  }
0x62: {  	[hbm4b:s11+s4] =	stream.linear.scatter [tilespmem:s17], [sflag:$0x8], $0x4000, $0x38;
	[tilespmem:$0x1D900] =	vst v63  }
0x63: {  	_ =	swait.ge [sflag:s9], $0x4000  }
0x64: {  	[sflag:s9] =	ssyncset.done $0x0  }
0x65: {  	s12 =	simm.s32 $0x600;
	[sflag:s9] =	ssyncadd.s32 $0xFFFFC000  }
0x66: {  	[tilespmem:s26], [sflag:$0x6] =	stream.indirect.gather [hbm4b:s2+s16], $0x80, s12, s16, $0xb8;
	[tilespmem:$0x1D900] =	vst v63  }
0x67: {  	_ =	swait.ge [sflag:s31], $0x4000  }
0x68: {  	s13 =	rddreg [dreg:$0x9];
	[sflag:s31] =	ssyncset.done $0x0  }
0x69: {  	[sflag:s31] =	ssyncadd.s32 $0xFFFFC000;
	s11 =	sadd.s32 s3, s13  }
0x6a: {  	[hbm4b:s11+s4] =	stream.linear.scatter [tilespmem:s18], [sflag:$0x9], $0x4000, $0x38;
	[tilespmem:$0x1D900] =	vst v63  }
0x6b: {  	_ =	swait.ge [sflag:s6], $0x4000  }
0x6c: {  	[sflag:s6] =	ssyncset.done $0x0  }
0x6d: {  	s14 =	simm.s32 $0x680;
	[sflag:s6] =	ssyncadd.s32 $0xFFFFC000  }
0x6e: {  	[tilespmem:s29], [sflag:$0x7] =	stream.indirect.gather [hbm4b:s2+s16], $0x80, s14, s16, $0xb8;
	[tilespmem:$0x1D900] =	vst v63  }
0x6f: {  	_ =	swait.ge [sflag:s1], $0x4000  }
0x70: {  	s11 =	simm.s32 $0xE00;
	s12 =	rddreg [dreg:$0x8];
	[sflag:s1] =	ssyncset.done $0x0  }
0x71: {  	[sflag:s1] =	ssyncadd.s32 $0xFFFFC000;
	s13 =	sadd.s32 s3, s12;
	s12 =	sadd.s32 $0x3800, s3  }
.LBB2_2:
0x72: {  	[hbm4b:s13+s4] =	stream.linear.scatter [tilespmem:s20], [sflag:$0xA], $0x4000, $0x38;
	[tilespmem:$0x1D900] =	vst v63  }
0x73: {  	s14 =	smov.u32 s11;
	_ =	swait.ge [sflag:s0], $0x4000  }
0x74: {  	s13 =	sshra.s32 s14, $0x2;
	[sflag:s0] =	ssyncset.done $0x0  }
0x75: {  	s14 =	sadd.s32 $0x380, s13;
	[sflag:s0] =	ssyncadd.s32 $0xFFFFC000  }
0x76: {  	[tilespmem:s17], [sflag:$0x1] =	stream.indirect.gather [hbm4b:s2+s16], $0x80, s14, s16, $0xb8;
	[tilespmem:$0x1D900] =	vst v63  }
0x77: {  	_ =	swait.ge [sflag:s19], $0x4000  }
0x78: {  	s14 =	rddreg [dreg:$0x7];
	[sflag:s19] =	ssyncset.done $0x0  }
0x79: {  	[sflag:s19] =	ssyncadd.s32 $0xFFFFC000;
	s14 =	sadd.s32 s12, s14  }
0x7a: {  	[hbm4b:s14+s4] =	stream.linear.scatter [tilespmem:s22], [sflag:$0xB], $0x4000, $0x38;
	[tilespmem:$0x1D900] =	vst v63  }
0x7b: {  	_ =	swait.ge [sflag:s21], $0x4000  }
0x7c: {  	[sflag:s21] =	ssyncset.done $0x0  }
0x7d: {  	s14 =	sadd.s32 $0x400, s13;
	[sflag:s21] =	ssyncadd.s32 $0xFFFFC000  }
0x7e: {  	[tilespmem:s18], [sflag:$0x2] =	stream.indirect.gather [hbm4b:s2+s16], $0x80, s14, s16, $0xb8;
	[tilespmem:$0x1D900] =	vst v63  }
0x7f: {  	_ =	swait.ge [sflag:s23], $0x4000  }
0x80: {  	s14 =	rddreg [dreg:$0x6];
	[sflag:s23] =	ssyncset.done $0x0  }
0x81: {  	[sflag:s23] =	ssyncadd.s32 $0xFFFFC000;
	s14 =	sadd.s32 s12, s14  }
0x82: {  	[hbm4b:s14+s4] =	stream.linear.scatter [tilespmem:s24], [sflag:$0xC], $0x4000, $0x38;
	[tilespmem:$0x1D900] =	vst v63  }
0x83: {  	_ =	swait.ge [sflag:s25], $0x4000  }
0x84: {  	[sflag:s25] =	ssyncset.done $0x0  }
0x85: {  	s14 =	sadd.s32 $0x480, s13;
	[sflag:s25] =	ssyncadd.s32 $0xFFFFC000  }
0x86: {  	[tilespmem:s20], [sflag:$0x3] =	stream.indirect.gather [hbm4b:s2+s16], $0x80, s14, s16, $0xb8;
	[tilespmem:$0x1D900] =	vst v63  }
0x87: {  	_ =	swait.ge [sflag:s28], $0x4000  }
0x88: {  	s14 =	rddreg [dreg:$0x5];
	[sflag:s28] =	ssyncset.done $0x0  }
0x89: {  	[sflag:s28] =	ssyncadd.s32 $0xFFFFC000;
	s14 =	sadd.s32 s12, s14  }
0x8a: {  	[hbm4b:s14+s4] =	stream.linear.scatter [tilespmem:s26], [sflag:$0xD], $0x4000, $0x38;
	[tilespmem:$0x1D900] =	vst v63  }
0x8b: {  	_ =	swait.ge [sflag:s5], $0x4000  }
0x8c: {  	[sflag:s5] =	ssyncset.done $0x0  }
0x8d: {  	s14 =	sadd.s32 $0x500, s13;
	[sflag:s5] =	ssyncadd.s32 $0xFFFFC000  }
0x8e: {  	[tilespmem:s22], [sflag:$0x4] =	stream.indirect.gather [hbm4b:s2+s16], $0x80, s14, s16, $0xb8;
	[tilespmem:$0x1D900] =	vst v63  }
0x8f: {  	_ =	swait.ge [sflag:s7], $0x4000  }
0x90: {  	s14 =	rddreg [dreg:$0x4];
	[sflag:s7] =	ssyncset.done $0x0  }
0x91: {  	[sflag:s7] =	ssyncadd.s32 $0xFFFFC000;
	s14 =	sadd.s32 s12, s14  }
0x92: {  	[hbm4b:s14+s4] =	stream.linear.scatter [tilespmem:s29], [sflag:$0xE], $0x4000, $0x38;
	[tilespmem:$0x1D900] =	vst v63  }
0x93: {  	_ =	swait.ge [sflag:s8], $0x4000  }
0x94: {  	[sflag:s8] =	ssyncset.done $0x0  }
0x95: {  	s14 =	sadd.s32 $0x580, s13;
	[sflag:s8] =	ssyncadd.s32 $0xFFFFC000  }
0x96: {  	[tilespmem:s24], [sflag:$0x5] =	stream.indirect.gather [hbm4b:s2+s16], $0x80, s14, s16, $0xb8;
	[tilespmem:$0x1D900] =	vst v63  }
0x97: {  	_ =	swait.ge [sflag:s30], $0x4000  }
0x98: {  	s14 =	rddreg [dreg:$0xa];
	[sflag:s30] =	ssyncset.done $0x0  }
0x99: {  	[sflag:s30] =	ssyncadd.s32 $0xFFFFC000;
	s14 =	sadd.s32 s12, s14  }
0x9a: {  	[hbm4b:s14+s4] =	stream.linear.scatter [tilespmem:s17], [sflag:$0x8], $0x4000, $0x38;
	[tilespmem:$0x1D900] =	vst v63  }
0x9b: {  	_ =	swait.ge [sflag:s9], $0x4000  }
0x9c: {  	[sflag:s9] =	ssyncset.done $0x0  }
0x9d: {  	s14 =	sadd.s32 $0x600, s13;
	[sflag:s9] =	ssyncadd.s32 $0xFFFFC000  }
0x9e: {  	[tilespmem:s26], [sflag:$0x6] =	stream.indirect.gather [hbm4b:s2+s16], $0x80, s14, s16, $0xb8;
	[tilespmem:$0x1D900] =	vst v63  }
0x9f: {  	_ =	swait.ge [sflag:s31], $0x4000  }
0xa0: {  	s14 =	rddreg [dreg:$0x9];
	[sflag:s31] =	ssyncset.done $0x0  }
0xa1: {  	[sflag:s31] =	ssyncadd.s32 $0xFFFFC000;
	s14 =	sadd.s32 s12, s14  }
0xa2: {  	[hbm4b:s14+s4] =	stream.linear.scatter [tilespmem:s18], [sflag:$0x9], $0x4000, $0x38;
	[tilespmem:$0x1D900] =	vst v63  }
0xa3: {  	_ =	swait.ge [sflag:s6], $0x4000  }
0xa4: {  	p0 =	sne.s32 s11, $0x4600;
	[sflag:s6] =	ssyncset.done $0x0  }
.Ltmp0:
0xa5: {  	s13 =	sadd.s32 $0x680, s13;
	[sflag:s6] =	ssyncadd.s32 $0xFFFFC000;
	(pc) =	sbr.rel @p0 .LBB2_2-.Ltmp0, $4  }
0xa6: {  	[tilespmem:s29], [sflag:$0x7] =	stream.indirect.gather [hbm4b:s2+s16], $0x80, s13, s16, $0xb8;
	[tilespmem:$0x1D900] =	vst v63  }
0xa7: {  	_ =	swait.ge [sflag:s1], $0x4000  }
0xa8: {  	s11 =	sadd.s32 $0xE00, s11;
	[sflag:s1] =	ssyncset.done $0x0;
	s14 =	rddreg [dreg:$0x8]  }
0xa9: {  	[sflag:s1] =	ssyncadd.s32 $0xFFFFC000;
	s13 =	sadd.s32 s12, s14;
	s12 =	sadd.s32 $0x3800, s12  }
0xaa: {  	[hbm4b:s13+s4] =	stream.linear.scatter [tilespmem:s20], [sflag:$0xA], $0x4000, $0x38;
	[tilespmem:$0x1D900] =	vst v63  }
0xab: {  	_ =	swait.ge [sflag:s0], $0x4000  }
0xac: {  	[sflag:s0] =	ssyncset.done $0x0  }
0xad: {  	s11 =	simm.s32 $0x1880;
	[sflag:s0] =	ssyncadd.s32 $0xFFFFC000  }
0xae: {  	[tilespmem:s17], [sflag:$0x1] =	stream.indirect.gather [hbm4b:s2+s16], $0x80, s11, s16, $0xb8;
	[tilespmem:$0x1D900] =	vst v63  }
0xaf: {  	_ =	swait.ge [sflag:s19], $0x4000  }
0xb0: {  	[sflag:s19] =	ssyncset.done $0x0  }
0xb1: {  	s12 =	rddreg [dreg:$0xf];
	[sflag:s19] =	ssyncadd.s32 $0xFFFFC000  }
0xb2: {  	[hbm4b:s12+s4] =	stream.linear.scatter [tilespmem:s22], [sflag:$0xB], $0x4000, $0x38;
	[tilespmem:$0x1D900] =	vst v63  }
0xb3: {  	_ =	swait.ge [sflag:s21], $0x4000  }
0xb4: {  	[sflag:s21] =	ssyncset.done $0x0  }
0xb5: {  	[sflag:s21] =	ssyncadd.s32 $0xFFFFC000  }
0xb6: {  	_ =	swait.ge [sflag:s23], $0x4000  }
0xb7: {  	[sflag:s23] =	ssyncset.done $0x0  }
0xb8: {  	s13 =	rddreg [dreg:$0x10];
	[sflag:s23] =	ssyncadd.s32 $0xFFFFC000  }
0xb9: {  	[hbm4b:s13+s4] =	stream.linear.scatter [tilespmem:s24], [sflag:$0xC], $0x4000, $0x38;
	[tilespmem:$0x1D900] =	vst v63  }
0xba: {  	_ =	swait.ge [sflag:s25], $0x4000  }
0xbb: {  	[sflag:s25] =	ssyncset.done $0x0  }
0xbc: {  	[sflag:s25] =	ssyncadd.s32 $0xFFFFC000  }
0xbd: {  	_ =	swait.ge [sflag:s28], $0x4000  }
0xbe: {  	[sflag:s28] =	ssyncset.done $0x0  }
0xbf: {  	s14 =	rddreg [dreg:$0x11];
	[sflag:s28] =	ssyncadd.s32 $0xFFFFC000  }
0xc0: {  	[hbm4b:s14+s4] =	stream.linear.scatter [tilespmem:s26], [sflag:$0xD], $0x4000, $0x38;
	[tilespmem:$0x1D900] =	vst v63  }
0xc1: {  	_ =	swait.ge [sflag:s5], $0x4000  }
0xc2: {  	[sflag:s5] =	ssyncset.done $0x0  }
0xc3: {  	[sflag:s5] =	ssyncadd.s32 $0xFFFFC000  }
0xc4: {  	_ =	swait.ge [sflag:s7], $0x4000  }
0xc5: {  	[sflag:s7] =	ssyncset.done $0x0  }
0xc6: {  	s12 =	rddreg [dreg:$0x12];
	[sflag:s7] =	ssyncadd.s32 $0xFFFFC000  }
0xc7: {  	[hbm4b:s12+s4] =	stream.linear.scatter [tilespmem:s29], [sflag:$0xE], $0x4000, $0x38;
	[tilespmem:$0x1D900] =	vst v63  }
0xc8: {  	_ =	swait.ge [sflag:s8], $0x4000  }
0xc9: {  	[sflag:s8] =	ssyncset.done $0x0  }
0xca: {  	[sflag:s8] =	ssyncadd.s32 $0xFFFFC000  }
0xcb: {  	_ =	swait.ge [sflag:s30], $0x4000  }
0xcc: {  	[sflag:s30] =	ssyncset.done $0x0  }
0xcd: {  	s13 =	rddreg [dreg:$0x13];
	[sflag:s30] =	ssyncadd.s32 $0xFFFFC000  }
0xce: {  	[hbm4b:s13+s4] =	stream.linear.scatter [tilespmem:s17], [sflag:$0x8], $0x4000, $0x38;
	[tilespmem:$0x1D900] =	vst v63  }
0xcf: {  	_ =	swait.ge [sflag:s9], $0x4000  }
0xd0: {  	[sflag:s9] =	ssyncset.done $0x0  }
0xd1: {  	[sflag:s9] =	ssyncadd.s32 $0xFFFFC000  }
0xd2: {  	_ =	swait.ge [sflag:s6], $0x4000  }
0xd3: {  	[sflag:s6] =	ssyncset.done $0x0  }
0xd4: {  	[sflag:s6] =	ssyncadd.s32 $0xFFFFC000  }
0xd5: {  	_ =	swait.ge [sflag:s0], $0x4000  }
0xd6: {  	s10 =	sadd.s32 $0x1, s10;
	s14 =	rddreg [dreg:$0x14]  }
0xd7: {  	p0 =	sne.s32 s10, s14  }
.Ltmp1:
0xd8: {  	_ = 	snop;
	(pc) =	sbr.rel @p0 .LBB2_1-.Ltmp1, $3  }
0xd9: {  	_ =	sdelay $0x1  }
0xda: {  	[sflag:s0] =	ssyncset.done $0x0  }
0xdb: {  	[sflag:s0] =	ssyncadd.s32 $0xFFFFC000  }
0xdc: {  	_ =	sfence.sel $0x180000  }
0xdd: {  	[bflag:$0x0] =	sbarrier.arrive $0xFFFF  }
0xde: {  	_ =	strace $0x90000047  }
0xdf: {  	s0 =	stileid.u32;
	[bflag:$0x2] =	sbarrier.arrive $0xFFFF  }
0xe0: {  	p0 =	sne.s32 s0, $0x0;
	s0 =	rddreg [dreg:$0x3]  }
0xe1: {  	s0 =	sadd.s32 @!p0 $0x100000, s0  }
0xe2: {  	[sflag:s0] =	ssyncadd.tile.s32 @!p0 $0x1;
	_ =	shalt  }
.Lfunc_end2:
_tile_overlayer_lowered:
.L_overlay_start_2:
0xe3: {  	(tag) =	ssettag $0x2  }
0xe4: {  	s0 =	rddreg [dreg:$0x0];
	s2 =	stileid.u32  }
0xe5: {  	s1 =	rddreg [dreg:$0x1];
	p0 =	sne.s32 s2, $0x0  }
0xe6: {  	s3 =	rddreg [dreg:$0x2];
	[bflag:$0x3] =	sbarrier.arrive $0xFFFF;
	s2 =	simm.s32 @!p0 $0x1C0F  }
0xe7: {  	[timem:s3], [sflag:s2] =	dma.local @!p0 [hbm:s0], s1  }
0xe8: {  	s0 =	simm.s32 @!p0 $0xF  }
0xe9: {  	_ =	swait.ge @!p0 [sflag:s0], s1  }
0xea: {  	s1 =	ssub.s32 @!p0 $0x0, s1;
	[sflag:s0] =	ssyncset.done @!p0 $0x0  }
0xeb: {  	[sflag:s0] =	ssyncadd.s32 @!p0 s1  }
0xec: {  	[bflag:$0x3] =	sbarrier.arrive $0xFFFF  }
0xed: {  	_ =	shalt  }

</sc_bundles>
